<compile_context>
chip_gen: v7x
topology: tpu7x:2x2x1
jax: 0.10.2.dev20260603
libtpu: 0.0.44.dev20260713+nightly
codegen_flags: <defaults>
</compile_context>

<pallas_src>
import functools

import jax
import jax.numpy as jnp
from jax import lax
from jax.experimental import pallas as pl
from jax.experimental.pallas import tpu as pltpu
from jax.experimental.pallas import tpu_sc as plsc

T = 512
K = 8192
D = 400
G = 64
PG = 128
S = 8
COMMIT = 0.25

RT = 128
NSTEP = T // RT
NW = 32
BPW = (T * S) // NW

_HI = lax.Precision.HIGHEST


DPAD = 512
KT = K // NSTEP


def _stage1_kernel(x_ref, w_ref, enc_ref, idx_ref, prob_ref,
                   wpad_ref, ww_ref, amat_ref, wb_ref):
    step = pl.program_id(0)
    x = x_ref[...]
    w = w_ref[...]

    wpad_ref[:, :D] = w_ref[pl.ds(step * KT, KT), :]

    @pl.when(step == 0)
    def _precompute():
        ww_ref[...] = jnp.sum(w * w, axis=1)[None, :]
        a_row = lax.broadcasted_iota(jnp.int32, (K, G), 0) // PG
        a_col = lax.broadcasted_iota(jnp.int32, (K, G), 1)
        amat_ref[...] = (a_row == a_col).astype(jnp.float32)
        wb_ref[...] = w.astype(jnp.bfloat16).T

    xx = jnp.sum(x * x, axis=1, keepdims=True)
    xw = lax.dot_general(
        x.astype(jnp.bfloat16), wb_ref[...],
        (((1,), (0,)), ((), ())),
        preferred_element_type=jnp.float32)
    d = xx + ww_ref[...] - 2.0 * xw
    enc = 1.0 / d
    enc_ref[0] = enc

    d_group = lax.dot_general(
        d, amat_ref[...], (((1,), (0,)), ((), ())),
        precision=_HI, preferred_element_type=jnp.float32)
    gmin = jnp.min(d_group, axis=1, keepdims=True)
    giota = lax.broadcasted_iota(jnp.int32, (RT, G), 1)
    g = jnp.min(jnp.where(d_group == gmin, giota, G), axis=1, keepdims=True)

    cur = enc
    for b in (32, 16, 8, 4, 2, 1):
        half = cur.shape[1] // 2
        cur = jnp.where((g & b) != 0, cur[:, half:], cur[:, :half])
    e_win = cur

    lane = lax.broadcasted_iota(jnp.int32, (RT, PG), 1)
    cur = e_win
    ps = []
    js = []
    for _ in range(S):
        m = jnp.max(cur, axis=1, keepdims=True)
        j = jnp.min(jnp.where(cur == m, lane, PG), axis=1, keepdims=True)
        ps.append(m)
        js.append(j)
        cur = jnp.where(lane == j, -1.0, cur)

    denom = jnp.maximum(
        ps[0] + ps[1] + ps[2] + ps[3] + ps[4] + ps[5] + ps[6] + ps[7], 1e-12)
    prob_ref[...] = jnp.concatenate(ps, axis=1) / denom
    idx_ref[...] = (g * PG + jnp.concatenate(js, axis=1)).T


@functools.cache
def _sc_gather_fn():
    @functools.partial(
        pl.kernel,
        out_type=jax.ShapeDtypeStruct((T * S, DPAD), jnp.float32),
        mesh=plsc.VectorSubcoreMesh(core_axis_name="c", subcore_axis_name="s"),
        scratch_types=[
            pltpu.VMEM((BPW,), jnp.int32),
            pltpu.VMEM((BPW, DPAD), jnp.float32),
            pltpu.SemaphoreType.DMA,
        ],
    )
    def _sc_gather(w_hbm, idx_hbm, out_hbm, idx_v, rows_v, sem):
        wid = lax.axis_index("s") * 2 + lax.axis_index("c")
        s_row = wid // (T // BPW)
        t0 = (wid % (T // BPW)) * BPW
        pltpu.sync_copy(idx_hbm.at[s_row, pl.ds(t0, BPW)], idx_v)
        pltpu.async_copy(w_hbm.at[idx_v], rows_v, sem).wait()
        pltpu.sync_copy(rows_v, out_hbm.at[pl.ds(wid * BPW, BPW)])

    return _sc_gather


def _stage3_kernel(x_ref, gath_ref, prob_ref, idx_ref, out_ref, loss_ref,
                   ent_ref):
    x = x_ref[...]
    pr = prob_ref[...]
    g3 = gath_ref[...].reshape(S, T, DPAD)
    out = g3[0, :, :D] * pr[:, 0:1]
    for s in range(1, S):
        out = out + g3[s, :, :D] * pr[:, s:s + 1]
    out_ref[...] = ((out - x) + x).reshape(8, T // 8, 1, D)
    diff = x - out
    mse = jnp.sum(diff * diff, axis=(0, 1), keepdims=True) * (1.0 / (T * D))
    loss_ref[...] = mse + COMMIT * mse

    idx0 = idx_ref[...][0:1, :]
    eq = (idx0.reshape(T, 1) == idx0).astype(jnp.float32)
    n = jnp.sum(eq, axis=1, keepdims=True)
    ent_ref[...] = jnp.sum(
        jnp.log(n * (1.0 / T)), axis=(0, 1), keepdims=True) * (-1.0 / T)


def kernel(x0, W):
    x1 = x0.reshape(T, D)

    enc, idx8, prob8, wpad = pl.pallas_call(
        _stage1_kernel,
        grid=(NSTEP,),
        in_specs=[
            pl.BlockSpec((RT, D), lambda i: (i, 0)),
            pl.BlockSpec((K, D), lambda i: (0, 0)),
        ],
        out_specs=[
            pl.BlockSpec((1, RT, K), lambda i: (0, i, 0)),
            pl.BlockSpec((S, RT), lambda i: (0, i)),
            pl.BlockSpec((RT, S), lambda i: (i, 0)),
            pl.BlockSpec((KT, DPAD), lambda i: (i, 0)),
        ],
        out_shape=(
            jax.ShapeDtypeStruct((1, T, K), jnp.float32),
            jax.ShapeDtypeStruct((S, T), jnp.int32),
            jax.ShapeDtypeStruct((T, S), jnp.float32),
            jax.ShapeDtypeStruct((K, DPAD), jnp.float32),
        ),
        scratch_shapes=[
            pltpu.VMEM((1, K), jnp.float32),
            pltpu.VMEM((K, G), jnp.float32),
            pltpu.VMEM((D, K), jnp.bfloat16),
        ],
        compiler_params=pltpu.CompilerParams(
            dimension_semantics=("arbitrary",),
            vmem_limit_bytes=100 * 1024 * 1024,
        ),
    )(x1, W)

    gathered = _sc_gather_fn()(wpad, idx8)

    out0, loss, ent = pl.pallas_call(
        _stage3_kernel,
        out_shape=(
            jax.ShapeDtypeStruct((8, T // 8, 1, D), jnp.float32),
            jax.ShapeDtypeStruct((1, 1), jnp.float32),
            jax.ShapeDtypeStruct((1, 1), jnp.float32),
        ),
    )(x1, gathered, prob8, idx8)

    return (loss[0, 0], out0, ent[0, 0], enc)

# --- scband reference (transcript-rebuilt; emitter-appended) ---
"""Pipeline reference for scband-vector-quant-group-1451698946507 (READ-ONLY COPY).

The authoritative reference and input builder live on the scoring server;
editing this copy changes nothing except your own understanding.
"""

import jax, jax.numpy as jnp
import numpy as np

N_CHANNELS = 1
N_CLASSES = 8192
NUM_GROUP = 64
NUM_SAMPLE = 8
EMBED_DIM = 400
PER_GROUP = N_CLASSES // NUM_GROUP
COMMITMENT_COST = 0.25


def setup_inputs(seed: int = 0) -> dict:
    key = jax.random.key(seed)
    k1, k2 = jax.random.split(key)
    x0 = jax.random.normal(k1, (8, 64, N_CHANNELS, EMBED_DIM), dtype=jnp.float32)
    # nn.Embedding default init ~ N(0, 1)
    W = jax.random.normal(k2, (N_CLASSES, EMBED_DIM), dtype=jnp.float32)
    return {"x0": x0, "W": W}


def reference(x0, W):
    # normalize=False branch: x = x0, embedding = raw weight
    x = x0
    x1 = x.reshape(-1, EMBED_DIM)  # [T, D], T = 512 (single 512-row chunk)
    T = x1.shape[0]

    # squared euclidean distances to all codes: [T, K]
    d = (jnp.sum(x1 ** 2, axis=1, keepdims=True)
         + jnp.sum(W ** 2, axis=1)
         - 2.0 * jnp.matmul(x1, W.T))

    # per-group mean distance: [T, G]
    d_group = jnp.mean(d.reshape(T, NUM_GROUP, PER_GROUP), axis=2)
    g = jnp.argmin(d_group, axis=1)  # [T]

    # indices of all codes in the winning group: [T, PER_GROUP]
    index_chunk_group = g[:, None] * PER_GROUP + jnp.arange(PER_GROUP, dtype=g.dtype)[None, :]

    # scatter 1s into the mask (torch scatter_)
    rows = jnp.arange(T)[:, None]
    encoding_mask = jnp.zeros((T, N_CLASSES), dtype=jnp.float32).at[rows, index_chunk_group].set(1.0)

    encoding_prob = 1.0 / d  # [T, K]
    masked_encoding_prob = encoding_mask * encoding_prob

    # torch: sort descending, take first num_sample -> top_k
    p, idx = jax.lax.top_k(masked_encoding_prob, NUM_SAMPLE)  # [T, S]

    # F.normalize(p=1, dim=1)
    prob_dist = p / jnp.clip(jnp.sum(jnp.abs(p), axis=1, keepdims=True), 1e-12, None)

    # entropy of the argmax code usage (histc over n_classes bins)
    hist = jnp.bincount(idx[:, 0].astype(jnp.int32), length=N_CLASSES).astype(jnp.float32)
    prob = hist / T
    safe_log = jnp.log(jnp.where(hist > 0, prob, 1.0))
    entropy = -jnp.sum(jnp.where(hist > 0, prob * safe_log, 0.0))

    # offset per channel (n_channels=1 -> zeros), broadcasts over [T, S]
    offset = jnp.arange(N_CHANNELS, dtype=idx.dtype) * N_CLASSES
    index1 = idx + offset

    # gather codes and mix with (detached) probabilities
    gathered = jnp.take(W, index1, axis=0)  # [T, S, D]
    output_flat = jnp.sum(gathered * jax.lax.stop_gradient(prob_dist)[:, :, None], axis=1)  # [T, D]
    output = output_flat.reshape(x.shape)

    # straight-through estimator + losses
    out0 = jax.lax.stop_gradient(output - x) + x
    out1 = jnp.mean((jax.lax.stop_gradient(x) - output) ** 2)  # q_latent_loss
    out2 = jnp.mean((x - jax.lax.stop_gradient(output)) ** 2)  # e_latent_loss
    loss = out1 + COMMITMENT_COST * out2

    perplexity = entropy
    encodings = encoding_prob[None]  # [1, T, K]
    return (loss, out0, perplexity, encodings)

if __name__ == "__main__":
    import jax
    _d = setup_inputs()
    print(jax.jit(kernel)(*tuple(_d.values())))

</pallas_src>

<mosaic_0001>
#map = affine_map<(d0, d1) -> (0, 0)>
module attributes {stable_mosaic.version = 14 : i64} {
  func.func @_sc_gather(%arg0: i32, %arg1: i32, %arg2: memref<8192x512xf32, #tpu.memory_space<hbm>>, %arg3: memref<8x512xi32, #tpu.memory_space<hbm>>, %arg4: memref<4096x512xf32, #tpu.memory_space<hbm>>, %arg5: memref<128xi32, #tpu.memory_space<vmem>>, %arg6: memref<128x512xf32, #tpu.memory_space<vmem>>, %arg7: memref<!tpu.dma_semaphore, #tpu.memory_space<semaphore_mem>>) attributes {dimension_semantics = [#tpu.dimension_semantics<core_parallel>, #tpu.dimension_semantics<subcore_parallel>], iteration_bounds = array<i64: 2, 16>, scalar_prefetch = 0 : i64, scratch_operands = 3 : i64, tpu.core_type = #tpu.core_type<sc_vector_subcore>, window_params = [{transform_indices = #map}, {transform_indices = #map}, {transform_indices = #map}]} {
    %mul3A = arith.constant 2 : i32
    %mul3A_0 = arith.muli %arg1, %mul3A : i32
    %add3A = arith.addi %mul3A_0, %arg0 : i32
    %jit3A = arith.constant 4 : i32
    %div3A = arith.divsi %add3A, %jit3A : i32
    %sign3A = arith.constant 0 : i32
    %sign3A_1 = arith.cmpi sgt, %add3A, %sign3A : i32
    %sign3A_2 = arith.extui %sign3A_1 : i1 to i32
    %sign3A_3 = arith.constant 0 : i32
    %sign3A_4 = arith.cmpi slt, %add3A, %sign3A_3 : i32
    %sign3A_5 = arith.extui %sign3A_4 : i1 to i32
    %sign3A_6 = arith.subi %sign3A_2, %sign3A_5 : i32
    %sign3A_7 = arith.constant 0 : i32
    %sign3A_8 = arith.cmpi sgt, %jit3A, %sign3A_7 : i32
    %sign3A_9 = arith.extui %sign3A_8 : i1 to i32
    %sign3A_10 = arith.constant 0 : i32
    %sign3A_11 = arith.cmpi slt, %jit3A, %sign3A_10 : i32
    %sign3A_12 = arith.extui %sign3A_11 : i1 to i32
    %sign3A_13 = arith.subi %sign3A_9, %sign3A_12 : i32
    %ne3A = arith.cmpi ne, %sign3A_6, %sign3A_13 : i32
    %rem3A = arith.remsi %add3A, %jit3A : i32
    %ne3A_14 = arith.constant 0 : i32
    %ne3A_15 = arith.cmpi ne, %rem3A, %ne3A_14 : i32
    %and3A = arith.andi %ne3A, %ne3A_15 : i1
    %sub3A = arith.constant 1 : i32
    %sub3A_16 = arith.subi %div3A, %sub3A : i32
    %select_n3A = arith.select %and3A, %sub3A_16, %div3A : i32
    %jit3A_17 = arith.constant 4 : i32
    %eq3A = arith.constant 0 : i32
    %eq3A_18 = arith.cmpi eq, %jit3A_17, %eq3A : i32
    %jit3A_19 = arith.constant 1 : i32
    %select_n3A_20 = arith.select %eq3A_18, %jit3A_19, %jit3A_17 : i32
    %rem3A_21 = arith.remsi %add3A, %select_n3A_20 : i32
    %ne3A_22 = arith.constant 0 : i32
    %ne3A_23 = arith.cmpi ne, %rem3A_21, %ne3A_22 : i32
    %lt3A = arith.constant 0 : i32
    %lt3A_24 = arith.cmpi slt, %rem3A_21, %lt3A : i32
    %lt3A_25 = arith.constant 0 : i32
    %lt3A_26 = arith.cmpi slt, %select_n3A_20, %lt3A_25 : i32
    %ne3A_27 = arith.xori %lt3A_24, %lt3A_26 : i1
    %and3A_28 = arith.andi %ne3A_27, %ne3A_23 : i1
    %add3A_29 = arith.addi %rem3A_21, %select_n3A_20 : i32
    %select_n3A_30 = arith.select %and3A_28, %add3A_29, %rem3A_21 : i32
    %mul3A_31 = arith.constant 128 : i32
    %mul3A_32 = arith.muli %select_n3A_30, %mul3A_31 : i32
    "tpu.region"() ({
      %run_scoped3A = tpu.sem_alloc : memref<!tpu.dma_semaphore, #tpu.memory_space<semaphore_mem>>
      %dma_start3A_39 = tpu.memref_slice %arg3[%select_n3A, %mul3A_32] : memref<8x512xi32, #tpu.memory_space<hbm>> -> memref<1x128xi32, #tpu.memory_space<hbm>>
      %dma_start3A_40 = tpu.memref_squeeze %dma_start3A_39 : memref<1x128xi32, #tpu.memory_space<hbm>> -> memref<128xi32, #tpu.memory_space<hbm>>
      %dma_start3A_41 = tpu.memref_slice %arg3[%select_n3A, %mul3A_32] : memref<8x512xi32, #tpu.memory_space<hbm>> -> memref<1x128xi32, #tpu.memory_space<hbm>>
      %dma_start3A_42 = tpu.memref_squeeze %dma_start3A_41 : memref<1x128xi32, #tpu.memory_space<hbm>> -> memref<128xi32, #tpu.memory_space<hbm>>
      tpu.enqueue_dma source(%dma_start3A_42 : memref<128xi32, #tpu.memory_space<hbm>>) target(%arg5 : memref<128xi32, #tpu.memory_space<vmem>>) target_semaphore(%run_scoped3A : memref<!tpu.dma_semaphore, #tpu.memory_space<semaphore_mem>>)
      %dma_wait3A_43 = tpu.memref_slice %arg3[%select_n3A, %mul3A_32] : memref<8x512xi32, #tpu.memory_space<hbm>> -> memref<1x128xi32, #tpu.memory_space<hbm>>
      %dma_wait3A_44 = tpu.memref_squeeze %dma_wait3A_43 : memref<1x128xi32, #tpu.memory_space<hbm>> -> memref<128xi32, #tpu.memory_space<hbm>>
      %dma_wait3A_45 = tpu.memref_slice %arg3[%select_n3A, %mul3A_32] : memref<8x512xi32, #tpu.memory_space<hbm>> -> memref<1x128xi32, #tpu.memory_space<hbm>>
      %dma_wait3A_46 = tpu.memref_squeeze %dma_wait3A_45 : memref<1x128xi32, #tpu.memory_space<hbm>> -> memref<128xi32, #tpu.memory_space<hbm>>
      tpu.wait_dma2 semaphore(%run_scoped3A : memref<!tpu.dma_semaphore, #tpu.memory_space<semaphore_mem>>) src(%dma_wait3A_46 : memref<128xi32, #tpu.memory_space<hbm>>) dst(%arg5 : memref<128xi32, #tpu.memory_space<vmem>>)
      tpu.yield
    }) : () -> ()
    %dma_start3A = arith.constant 0 : i32
    %dma_start3A_33 = arith.constant 0 : i32
    %dma_start3A_34 = tpu.memref_slice %arg2[%dma_start3A, %dma_start3A_33] : memref<8192x512xf32, #tpu.memory_space<hbm>> -> memref<8192x512xf32, #tpu.memory_space<hbm>>
    tpu.enqueue_indirect_dma source(%dma_start3A_34 : memref<8192x512xf32, #tpu.memory_space<hbm>>) target(%arg6 : memref<128x512xf32, #tpu.memory_space<vmem>>) offsets(%arg5 : memref<128xi32, #tpu.memory_space<vmem>>) semaphore(%arg7 : memref<!tpu.dma_semaphore, #tpu.memory_space<semaphore_mem>>)
    %dma_wait3A = arith.constant 0 : i32
    %dma_wait3A_35 = arith.constant 0 : i32
    %dma_wait3A_36 = tpu.memref_slice %arg2[%dma_wait3A, %dma_wait3A_35] : memref<8192x512xf32, #tpu.memory_space<hbm>> -> memref<8192x512xf32, #tpu.memory_space<hbm>>
    tpu.wait_indirect_dma semaphore(%arg7 : memref<!tpu.dma_semaphore, #tpu.memory_space<semaphore_mem>>) src(%dma_wait3A_36 : memref<8192x512xf32, #tpu.memory_space<hbm>>) dst(%arg6 : memref<128x512xf32, #tpu.memory_space<vmem>>)
    %mul3A_37 = arith.constant 128 : i32
    %mul3A_38 = arith.muli %add3A, %mul3A_37 : i32
    "tpu.region"() ({
      %run_scoped3A = tpu.sem_alloc : memref<!tpu.dma_semaphore, #tpu.memory_space<semaphore_mem>>
      %dma_start3A_39 = arith.constant 0 : i32
      %dma_start3A_40 = tpu.memref_slice %arg4[%mul3A_38, %dma_start3A_39] : memref<4096x512xf32, #tpu.memory_space<hbm>> -> memref<128x512xf32, #tpu.memory_space<hbm>>
      %dma_start3A_41 = arith.constant 0 : i32
      %dma_start3A_42 = tpu.memref_slice %arg4[%mul3A_38, %dma_start3A_41] : memref<4096x512xf32, #tpu.memory_space<hbm>> -> memref<128x512xf32, #tpu.memory_space<hbm>>
      tpu.enqueue_dma source(%arg6 : memref<128x512xf32, #tpu.memory_space<vmem>>) target(%dma_start3A_42 : memref<128x512xf32, #tpu.memory_space<hbm>>) target_semaphore(%run_scoped3A : memref<!tpu.dma_semaphore, #tpu.memory_space<semaphore_mem>>)
      %dma_wait3A_43 = arith.constant 0 : i32
      %dma_wait3A_44 = tpu.memref_slice %arg4[%mul3A_38, %dma_wait3A_43] : memref<4096x512xf32, #tpu.memory_space<hbm>> -> memref<128x512xf32, #tpu.memory_space<hbm>>
      %dma_wait3A_45 = arith.constant 0 : i32
      %dma_wait3A_46 = tpu.memref_slice %arg4[%mul3A_38, %dma_wait3A_45] : memref<4096x512xf32, #tpu.memory_space<hbm>> -> memref<128x512xf32, #tpu.memory_space<hbm>>
      tpu.wait_dma2 semaphore(%run_scoped3A : memref<!tpu.dma_semaphore, #tpu.memory_space<semaphore_mem>>) src(%arg6 : memref<128x512xf32, #tpu.memory_space<vmem>>) dst(%dma_wait3A_46 : memref<128x512xf32, #tpu.memory_space<hbm>>)
      tpu.yield
    }) : () -> ()
    return
  }
}

module attributes {stable_mosaic.version = 14 : i64} {
  func.func @_stage3_kernel(%arg0: memref<512x400xf32, #tpu.memory_space<vmem>>, %arg1: memref<4096x512xf32, #tpu.memory_space<vmem>>, %arg2: memref<512x8xf32, #tpu.memory_space<vmem>>, %arg3: memref<8x512xi32, #tpu.memory_space<vmem>>, %arg4: memref<8x64x1x400xf32, #tpu.memory_space<vmem>>, %arg5: memref<1x1xf32, #tpu.memory_space<vmem>>, %arg6: memref<1x1xf32, #tpu.memory_space<vmem>>) attributes {dimension_semantics = [], scalar_prefetch = 0 : i64, scratch_operands = 0 : i64, tpu.core_type = #tpu.core_type<tc>} {
    %get3A = arith.constant 0 : index
    %get3A_0 = arith.constant 0 : index
    %get3A_1 = vector.load %arg0[%get3A, %get3A_0] : memref<512x400xf32, #tpu.memory_space<vmem>>, vector<512x400xf32>
    %get3A_2 = arith.constant 0 : index
    %get3A_3 = arith.constant 0 : index
    %get3A_4 = vector.load %arg2[%get3A_2, %get3A_3] : memref<512x8xf32, #tpu.memory_space<vmem>>, vector<512x8xf32>
    %get3A_5 = arith.constant 0 : index
    %get3A_6 = arith.constant 0 : index
    %get3A_7 = vector.load %arg1[%get3A_5, %get3A_6] : memref<4096x512xf32, #tpu.memory_space<vmem>>, vector<4096x512xf32>
    %reshape3A = vector.shape_cast %get3A_7 : vector<4096x512xf32> to vector<8x512x512xf32>
    %slice3A = vector.extract_strided_slice %reshape3A {offsets = [0, 0, 0], sizes = [1, 512, 400], strides = [1, 1, 1]} : vector<8x512x512xf32> to vector<1x512x400xf32>
    %squeeze3A = vector.shape_cast %slice3A : vector<1x512x400xf32> to vector<512x400xf32>
    %slice3A_8 = vector.extract_strided_slice %get3A_4 {offsets = [0, 0], sizes = [512, 1], strides = [1, 1]} : vector<512x8xf32> to vector<512x1xf32>
    %mul3A = vector.broadcast %slice3A_8 : vector<512x1xf32> to vector<512x400xf32>
    %mul3A_9 = arith.mulf %squeeze3A, %mul3A : vector<512x400xf32>
    %slice3A_10 = vector.extract_strided_slice %reshape3A {offsets = [1, 0, 0], sizes = [1, 512, 400], strides = [1, 1, 1]} : vector<8x512x512xf32> to vector<1x512x400xf32>
    %squeeze3A_11 = vector.shape_cast %slice3A_10 : vector<1x512x400xf32> to vector<512x400xf32>
    %slice3A_12 = vector.extract_strided_slice %get3A_4 {offsets = [0, 1], sizes = [512, 1], strides = [1, 1]} : vector<512x8xf32> to vector<512x1xf32>
    %mul3A_13 = vector.broadcast %slice3A_12 : vector<512x1xf32> to vector<512x400xf32>
    %mul3A_14 = arith.mulf %squeeze3A_11, %mul3A_13 : vector<512x400xf32>
    %add3A = arith.addf %mul3A_9, %mul3A_14 : vector<512x400xf32>
    %slice3A_15 = vector.extract_strided_slice %reshape3A {offsets = [2, 0, 0], sizes = [1, 512, 400], strides = [1, 1, 1]} : vector<8x512x512xf32> to vector<1x512x400xf32>
    %squeeze3A_16 = vector.shape_cast %slice3A_15 : vector<1x512x400xf32> to vector<512x400xf32>
    %slice3A_17 = vector.extract_strided_slice %get3A_4 {offsets = [0, 2], sizes = [512, 1], strides = [1, 1]} : vector<512x8xf32> to vector<512x1xf32>
    %mul3A_18 = vector.broadcast %slice3A_17 : vector<512x1xf32> to vector<512x400xf32>
    %mul3A_19 = arith.mulf %squeeze3A_16, %mul3A_18 : vector<512x400xf32>
    %add3A_20 = arith.addf %add3A, %mul3A_19 : vector<512x400xf32>
    %slice3A_21 = vector.extract_strided_slice %reshape3A {offsets = [3, 0, 0], sizes = [1, 512, 400], strides = [1, 1, 1]} : vector<8x512x512xf32> to vector<1x512x400xf32>
    %squeeze3A_22 = vector.shape_cast %slice3A_21 : vector<1x512x400xf32> to vector<512x400xf32>
    %slice3A_23 = vector.extract_strided_slice %get3A_4 {offsets = [0, 3], sizes = [512, 1], strides = [1, 1]} : vector<512x8xf32> to vector<512x1xf32>
    %mul3A_24 = vector.broadcast %slice3A_23 : vector<512x1xf32> to vector<512x400xf32>
    %mul3A_25 = arith.mulf %squeeze3A_22, %mul3A_24 : vector<512x400xf32>
    %add3A_26 = arith.addf %add3A_20, %mul3A_25 : vector<512x400xf32>
    %slice3A_27 = vector.extract_strided_slice %reshape3A {offsets = [4, 0, 0], sizes = [1, 512, 400], strides = [1, 1, 1]} : vector<8x512x512xf32> to vector<1x512x400xf32>
    %squeeze3A_28 = vector.shape_cast %slice3A_27 : vector<1x512x400xf32> to vector<512x400xf32>
    %slice3A_29 = vector.extract_strided_slice %get3A_4 {offsets = [0, 4], sizes = [512, 1], strides = [1, 1]} : vector<512x8xf32> to vector<512x1xf32>
    %mul3A_30 = vector.broadcast %slice3A_29 : vector<512x1xf32> to vector<512x400xf32>
    %mul3A_31 = arith.mulf %squeeze3A_28, %mul3A_30 : vector<512x400xf32>
    %add3A_32 = arith.addf %add3A_26, %mul3A_31 : vector<512x400xf32>
    %slice3A_33 = vector.extract_strided_slice %reshape3A {offsets = [5, 0, 0], sizes = [1, 512, 400], strides = [1, 1, 1]} : vector<8x512x512xf32> to vector<1x512x400xf32>
    %squeeze3A_34 = vector.shape_cast %slice3A_33 : vector<1x512x400xf32> to vector<512x400xf32>
    %slice3A_35 = vector.extract_strided_slice %get3A_4 {offsets = [0, 5], sizes = [512, 1], strides = [1, 1]} : vector<512x8xf32> to vector<512x1xf32>
    %mul3A_36 = vector.broadcast %slice3A_35 : vector<512x1xf32> to vector<512x400xf32>
    %mul3A_37 = arith.mulf %squeeze3A_34, %mul3A_36 : vector<512x400xf32>
    %add3A_38 = arith.addf %add3A_32, %mul3A_37 : vector<512x400xf32>
    %slice3A_39 = vector.extract_strided_slice %reshape3A {offsets = [6, 0, 0], sizes = [1, 512, 400], strides = [1, 1, 1]} : vector<8x512x512xf32> to vector<1x512x400xf32>
    %squeeze3A_40 = vector.shape_cast %slice3A_39 : vector<1x512x400xf32> to vector<512x400xf32>
    %slice3A_41 = vector.extract_strided_slice %get3A_4 {offsets = [0, 6], sizes = [512, 1], strides = [1, 1]} : vector<512x8xf32> to vector<512x1xf32>
    %mul3A_42 = vector.broadcast %slice3A_41 : vector<512x1xf32> to vector<512x400xf32>
    %mul3A_43 = arith.mulf %squeeze3A_40, %mul3A_42 : vector<512x400xf32>
    %add3A_44 = arith.addf %add3A_38, %mul3A_43 : vector<512x400xf32>
    %slice3A_45 = vector.extract_strided_slice %reshape3A {offsets = [7, 0, 0], sizes = [1, 512, 400], strides = [1, 1, 1]} : vector<8x512x512xf32> to vector<1x512x400xf32>
    %squeeze3A_46 = vector.shape_cast %slice3A_45 : vector<1x512x400xf32> to vector<512x400xf32>
    %slice3A_47 = vector.extract_strided_slice %get3A_4 {offsets = [0, 7], sizes = [512, 1], strides = [1, 1]} : vector<512x8xf32> to vector<512x1xf32>
    %mul3A_48 = vector.broadcast %slice3A_47 : vector<512x1xf32> to vector<512x400xf32>
    %mul3A_49 = arith.mulf %squeeze3A_46, %mul3A_48 : vector<512x400xf32>
    %add3A_50 = arith.addf %add3A_44, %mul3A_49 : vector<512x400xf32>
    %sub3A = arith.subf %add3A_50, %get3A_1 : vector<512x400xf32>
    %add3A_51 = arith.addf %sub3A, %get3A_1 : vector<512x400xf32>
    %reshape3A_52 = vector.shape_cast %add3A_51 : vector<512x400xf32> to vector<8x64x1x400xf32>
    %swap3A = arith.constant 0 : index
    %swap3A_53 = arith.constant 0 : index
    %swap3A_54 = arith.constant 0 : index
    %swap3A_55 = arith.constant 0 : index
    %swap3A_56 = vector.load %arg4[%swap3A, %swap3A_53, %swap3A_54, %swap3A_55] : memref<8x64x1x400xf32, #tpu.memory_space<vmem>>, vector<8x64x1x400xf32>
    tpu.vector_store %arg4[%swap3A, %swap3A_53, %swap3A_54, %swap3A_55], %reshape3A_52 {strides = array<i32>} : memref<8x64x1x400xf32, #tpu.memory_space<vmem>>, vector<8x64x1x400xf32>,
    %sub3A_57 = arith.subf %get3A_1, %add3A_50 : vector<512x400xf32>
    %mul3A_58 = arith.mulf %sub3A_57, %sub3A_57 : vector<512x400xf32>
    %reduce_sum3A = vector.shape_cast %mul3A_58 : vector<512x400xf32> to vector<1x512x400xf32>
    %reduce_sum3A_59 = arith.constant dense<0.000000e+00> : vector<1xf32>
    %reduce_sum3A_60 = vector.multi_reduction <add>, %reduce_sum3A, %reduce_sum3A_59 [1, 2] : vector<1x512x400xf32> to vector<1xf32>
    %reduce_sum3A_61 = vector.shape_cast %reduce_sum3A_60 : vector<1xf32> to vector<1x1x1xf32>
    %reduce_sum3A_62 = vector.extract %reduce_sum3A_61[0, 0, 0] : f32 from vector<1x1x1xf32>
    %broadcast_in_dim3A = vector.broadcast %reduce_sum3A_62 : f32 to vector<1x1xf32>
    %mul3A_63 = arith.constant 4.88281239E-6 : f32
    %mul3A_64 = vector.broadcast %mul3A_63 : f32 to vector<1x1xf32>
    %mul3A_65 = arith.mulf %broadcast_in_dim3A, %mul3A_64 : vector<1x1xf32>
    %mul3A_66 = arith.constant 2.500000e-01 : f32
    %mul3A_67 = vector.broadcast %mul3A_66 : f32 to vector<1x1xf32>
    %mul3A_68 = arith.mulf %mul3A_67, %mul3A_65 : vector<1x1xf32>
    %add3A_69 = arith.addf %mul3A_65, %mul3A_68 : vector<1x1xf32>
    %swap3A_70 = arith.constant 0 : index
    %swap3A_71 = arith.constant 0 : index
    %swap3A_72 = vector.load %arg5[%swap3A_70, %swap3A_71] : memref<1x1xf32, #tpu.memory_space<vmem>>, vector<1x1xf32>
    tpu.vector_store %arg5[%swap3A_70, %swap3A_71], %add3A_69 {strides = array<i32>} : memref<1x1xf32, #tpu.memory_space<vmem>>, vector<1x1xf32>,
    %get3A_73 = arith.constant 0 : index
    %get3A_74 = arith.constant 0 : index
    %get3A_75 = vector.load %arg3[%get3A_73, %get3A_74] : memref<8x512xi32, #tpu.memory_space<vmem>>, vector<8x512xi32>
    %slice3A_76 = vector.extract_strided_slice %get3A_75 {offsets = [0, 0], sizes = [1, 512], strides = [1, 1]} : vector<8x512xi32> to vector<1x512xi32>
    %reshape3A_77 = vector.shape_cast %slice3A_76 : vector<1x512xi32> to vector<512x1xi32>
    %eq3A = vector.broadcast %reshape3A_77 : vector<512x1xi32> to vector<512x512xi32>
    %eq3A_78 = vector.broadcast %slice3A_76 : vector<1x512xi32> to vector<512x512xi32>
    %eq3A_79 = arith.cmpi eq, %eq3A, %eq3A_78 : vector<512x512xi32>
    %convert_element_type3A = arith.extui %eq3A_79 : vector<512x512xi1> to vector<512x512xi32>
    %convert_element_type3A_80 = arith.sitofp %convert_element_type3A : vector<512x512xi32> to vector<512x512xf32>
    %reduce_sum3A_81 = arith.constant dense<0.000000e+00> : vector<512xf32>
    %reduce_sum3A_82 = vector.multi_reduction <add>, %convert_element_type3A_80, %reduce_sum3A_81 [1] : vector<512x512xf32> to vector<512xf32>
    %broadcast_in_dim3A_83 = vector.shape_cast %reduce_sum3A_82 : vector<512xf32> to vector<512x1xf32>
    %mul3A_84 = arith.constant 0.001953125 : f32
    %mul3A_85 = vector.broadcast %mul3A_84 : f32 to vector<512x1xf32>
    %mul3A_86 = arith.mulf %broadcast_in_dim3A_83, %mul3A_85 : vector<512x1xf32>
    %log3A = math.log %mul3A_86 : vector<512x1xf32>
    %reduce_sum3A_87 = vector.shape_cast %log3A : vector<512x1xf32> to vector<1x512x1xf32>
    %reduce_sum3A_88 = arith.constant dense<0.000000e+00> : vector<1xf32>
    %reduce_sum3A_89 = vector.multi_reduction <add>, %reduce_sum3A_87, %reduce_sum3A_88 [1, 2] : vector<1x512x1xf32> to vector<1xf32>
    %reduce_sum3A_90 = vector.shape_cast %reduce_sum3A_89 : vector<1xf32> to vector<1x1x1xf32>
    %reduce_sum3A_91 = vector.extract %reduce_sum3A_90[0, 0, 0] : f32 from vector<1x1x1xf32>
    %broadcast_in_dim3A_92 = vector.broadcast %reduce_sum3A_91 : f32 to vector<1x1xf32>
    %mul3A_93 = arith.constant -0.001953125 : f32
    %mul3A_94 = vector.broadcast %mul3A_93 : f32 to vector<1x1xf32>
    %mul3A_95 = arith.mulf %broadcast_in_dim3A_92, %mul3A_94 : vector<1x1xf32>
    %swap3A_96 = arith.constant 0 : index
    %swap3A_97 = arith.constant 0 : index
    %swap3A_98 = vector.load %arg6[%swap3A_96, %swap3A_97] : memref<1x1xf32, #tpu.memory_space<vmem>>, vector<1x1xf32>
    tpu.vector_store %arg6[%swap3A_96, %swap3A_97], %mul3A_95 {strides = array<i32>} : memref<1x1xf32, #tpu.memory_space<vmem>>, vector<1x1xf32>,
    return
  }
}

module attributes {stable_mosaic.version = 14 : i64} {
  func.func @_stage1_kernel(%arg0: i32, %arg1: memref<128x400xf32, #tpu.memory_space<vmem>>, %arg2: memref<8192x400xf32, #tpu.memory_space<vmem>>, %arg3: memref<1x128x8192xf32, #tpu.memory_space<vmem>>, %arg4: memref<8x128xi32, #tpu.memory_space<vmem>>, %arg5: memref<128x8xf32, #tpu.memory_space<vmem>>, %arg6: memref<2048x512xf32, #tpu.memory_space<vmem>>, %arg7: memref<1x8192xf32, #tpu.memory_space<vmem>>, %arg8: memref<8192x64xf32, #tpu.memory_space<vmem>>, %arg9: memref<400x8192xbf16, #tpu.memory_space<vmem>>) attributes {dimension_semantics = [#tpu.dimension_semantics<arbitrary>], iteration_bounds = array<i64: 4>, scalar_prefetch = 0 : i64, scratch_operands = 3 : i64, tpu.core_type = #tpu.core_type<tc>, window_params = [{transform_indices = @transform_0, window_bounds = array<i64: 128, 400>}, {pipeline_mode = #tpu.pipeline_mode<synchronous>, transform_indices = @transform_1, window_bounds = array<i64: 8192, 400>}, {transform_indices = @transform_2, window_bounds = array<i64: 1, 128, 8192>}, {transform_indices = @transform_3, window_bounds = array<i64: 8, 128>}, {transform_indices = @transform_4, window_bounds = array<i64: 128, 8>}, {transform_indices = @transform_5, window_bounds = array<i64: 2048, 512>}]} {
    %get3A = arith.constant 0 : index
    %get3A_0 = arith.constant 0 : index
    %get3A_1 = vector.load %arg1[%get3A, %get3A_0] : memref<128x400xf32, #tpu.memory_space<vmem>>, vector<128x400xf32>
    %get3A_2 = arith.constant 0 : index
    %get3A_3 = arith.constant 0 : index
    %get3A_4 = vector.load %arg2[%get3A_2, %get3A_3] : memref<8192x400xf32, #tpu.memory_space<vmem>>, vector<8192x400xf32>
    %mul3A = arith.constant 2048 : i32
    %mul3A_5 = arith.muli %arg0, %mul3A : i32
    %get3A_6 = arith.index_cast %mul3A_5 : i32 to index
    %get3A_7 = arith.constant 0 : index
    %get3A_8 = vector.load %arg2[%get3A_6, %get3A_7] : memref<8192x400xf32, #tpu.memory_space<vmem>>, vector<2048x400xf32>
    %swap3A = arith.constant 0 : index
    %swap3A_9 = arith.constant 0 : index
    %swap3A_10 = vector.load %arg6[%swap3A, %swap3A_9] : memref<2048x512xf32, #tpu.memory_space<vmem>>, vector<2048x400xf32>
    tpu.vector_store %arg6[%swap3A, %swap3A_9], %get3A_8 {strides = array<i32>} : memref<2048x512xf32, #tpu.memory_space<vmem>>, vector<2048x400xf32>,
    %eq3A = arith.constant 0 : i32
    %eq3A_11 = arith.cmpi eq, %arg0, %eq3A : i32
    %convert_element_type3A = arith.extui %eq3A_11 : i1 to i32
    %cond3A = arith.constant 0 : i32
    %cond3A_12 = arith.cmpi ne, %convert_element_type3A, %cond3A : i32
    scf.if %cond3A_12 {
      %mul3A_258 = arith.mulf %get3A_4, %get3A_4 : vector<8192x400xf32>
      %reduce_sum3A_259 = arith.constant dense<0.000000e+00> : vector<8192xf32>
      %reduce_sum3A_260 = vector.multi_reduction <add>, %mul3A_258, %reduce_sum3A_259 [1] : vector<8192x400xf32> to vector<8192xf32>
      %broadcast_in_dim3A_261 = vector.shape_cast %reduce_sum3A_260 : vector<8192xf32> to vector<1x8192xf32>
      %swap3A_262 = arith.constant 0 : index
      %swap3A_263 = arith.constant 0 : index
      %swap3A_264 = vector.load %arg7[%swap3A_262, %swap3A_263] : memref<1x8192xf32, #tpu.memory_space<vmem>>, vector<1x8192xf32>
      tpu.vector_store %arg7[%swap3A_262, %swap3A_263], %broadcast_in_dim3A_261 {strides = array<i32>} : memref<1x8192xf32, #tpu.memory_space<vmem>>, vector<1x8192xf32>,
      %iota3A_265 = tpu.iota {dimensions = array<i32: 0>} : vector<8192x64xi32>
      %jit3A_266 = arith.constant 128 : i32
      %div3A_267 = vector.broadcast %jit3A_266 : i32 to vector<8192x64xi32>
      %div3A_268 = arith.divsi %iota3A_265, %div3A_267 : vector<8192x64xi32>
      %sign3A = arith.constant 0 : i32
      %sign3A_269 = vector.broadcast %sign3A : i32 to vector<8192x64xi32>
      %sign3A_270 = arith.cmpi sgt, %iota3A_265, %sign3A_269 : vector<8192x64xi32>
      %sign3A_271 = arith.extui %sign3A_270 : vector<8192x64xi1> to vector<8192x64xi32>
      %sign3A_272 = arith.constant 0 : i32
      %sign3A_273 = vector.broadcast %sign3A_272 : i32 to vector<8192x64xi32>
      %sign3A_274 = arith.cmpi slt, %iota3A_265, %sign3A_273 : vector<8192x64xi32>
      %sign3A_275 = arith.extui %sign3A_274 : vector<8192x64xi1> to vector<8192x64xi32>
      %sign3A_276 = arith.subi %sign3A_271, %sign3A_275 : vector<8192x64xi32>
      %sign3A_277 = arith.constant 0 : i32
      %sign3A_278 = arith.cmpi sgt, %jit3A_266, %sign3A_277 : i32
      %sign3A_279 = arith.extui %sign3A_278 : i1 to i32
      %sign3A_280 = arith.constant 0 : i32
      %sign3A_281 = arith.cmpi slt, %jit3A_266, %sign3A_280 : i32
      %sign3A_282 = arith.extui %sign3A_281 : i1 to i32
      %sign3A_283 = arith.subi %sign3A_279, %sign3A_282 : i32
      %ne3A_284 = vector.broadcast %sign3A_283 : i32 to vector<8192x64xi32>
      %ne3A_285 = arith.cmpi ne, %sign3A_276, %ne3A_284 : vector<8192x64xi32>
      %rem3A = vector.broadcast %jit3A_266 : i32 to vector<8192x64xi32>
      %rem3A_286 = arith.remsi %iota3A_265, %rem3A : vector<8192x64xi32>
      %ne3A_287 = arith.constant 0 : i32
      %ne3A_288 = vector.broadcast %ne3A_287 : i32 to vector<8192x64xi32>
      %ne3A_289 = arith.cmpi ne, %rem3A_286, %ne3A_288 : vector<8192x64xi32>
      %and3A_290 = arith.andi %ne3A_285, %ne3A_289 : vector<8192x64xi1>
      %sub3A_291 = arith.constant 1 : i32
      %sub3A_292 = vector.broadcast %sub3A_291 : i32 to vector<8192x64xi32>
      %sub3A_293 = arith.subi %div3A_268, %sub3A_292 : vector<8192x64xi32>
      %select_n3A_294 = arith.select %and3A_290, %sub3A_293, %div3A_268 : vector<8192x64xi1>, vector<8192x64xi32>
      %iota3A_295 = tpu.iota {dimensions = array<i32: 1>} : vector<8192x64xi32>
      %eq3A_296 = arith.cmpi eq, %select_n3A_294, %iota3A_295 : vector<8192x64xi32>
      %convert_element_type3A_297 = arith.extui %eq3A_296 : vector<8192x64xi1> to vector<8192x64xi32>
      %convert_element_type3A_298 = arith.sitofp %convert_element_type3A_297 : vector<8192x64xi32> to vector<8192x64xf32>
      %swap3A_299 = arith.constant 0 : index
      %swap3A_300 = arith.constant 0 : index
      %swap3A_301 = vector.load %arg8[%swap3A_299, %swap3A_300] : memref<8192x64xf32, #tpu.memory_space<vmem>>, vector<8192x64xf32>
      tpu.vector_store %arg8[%swap3A_299, %swap3A_300], %convert_element_type3A_298 {strides = array<i32>} : memref<8192x64xf32, #tpu.memory_space<vmem>>, vector<8192x64xf32>,
      %convert_element_type3A_302 = arith.truncf %get3A_4 : vector<8192x400xf32> to vector<8192x400xbf16>
      %transpose3A_303 = tpu.transpose %convert_element_type3A_302, [1, 0] : vector<8192x400xbf16> -> vector<400x8192xbf16>
      %swap3A_304 = arith.constant 0 : index
      %swap3A_305 = arith.constant 0 : index
      %swap3A_306 = vector.load %arg9[%swap3A_304, %swap3A_305] : memref<400x8192xbf16, #tpu.memory_space<vmem>>, vector<400x8192xbf16>
      tpu.vector_store %arg9[%swap3A_304, %swap3A_305], %transpose3A_303 {strides = array<i32>} : memref<400x8192xbf16, #tpu.memory_space<vmem>>, vector<400x8192xbf16>,
    } else {
    }
    %mul3A_13 = arith.mulf %get3A_1, %get3A_1 : vector<128x400xf32>
    %reduce_sum3A = arith.constant dense<0.000000e+00> : vector<128xf32>
    %reduce_sum3A_14 = vector.multi_reduction <add>, %mul3A_13, %reduce_sum3A [1] : vector<128x400xf32> to vector<128xf32>
    %broadcast_in_dim3A = vector.shape_cast %reduce_sum3A_14 : vector<128xf32> to vector<128x1xf32>
    %convert_element_type3A_15 = arith.truncf %get3A_1 : vector<128x400xf32> to vector<128x400xbf16>
    %get3A_16 = arith.constant 0 : index
    %get3A_17 = arith.constant 0 : index
    %get3A_18 = vector.load %arg9[%get3A_16, %get3A_17] : memref<400x8192xbf16, #tpu.memory_space<vmem>>, vector<400x8192xbf16>
    %dot_general3A = arith.constant dense<0.000000e+00> : vector<128x8192xf32>
    %dot_general3A_19 = tpu.matmul %convert_element_type3A_15, %get3A_18, %dot_general3A {dimension_numbers = #tpu.dot_dimension_numbers<[1], [0], [0], [1], [0, 0, 1, 1], [], []>, transpose_lhs_hint = false} : vector<128x400xbf16>, vector<400x8192xbf16>, vector<128x8192xf32> -> vector<128x8192xf32>
    %get3A_20 = arith.constant 0 : index
    %get3A_21 = arith.constant 0 : index
    %get3A_22 = vector.load %arg7[%get3A_20, %get3A_21] : memref<1x8192xf32, #tpu.memory_space<vmem>>, vector<1x8192xf32>
    %add3A = vector.broadcast %broadcast_in_dim3A : vector<128x1xf32> to vector<128x8192xf32>
    %add3A_23 = vector.broadcast %get3A_22 : vector<1x8192xf32> to vector<128x8192xf32>
    %add3A_24 = arith.addf %add3A, %add3A_23 : vector<128x8192xf32>
    %mul3A_25 = arith.constant 2.000000e+00 : f32
    %mul3A_26 = vector.broadcast %mul3A_25 : f32 to vector<128x8192xf32>
    %mul3A_27 = arith.mulf %mul3A_26, %dot_general3A_19 : vector<128x8192xf32>
    %sub3A = arith.subf %add3A_24, %mul3A_27 : vector<128x8192xf32>
    %div3A = arith.constant 1.000000e+00 : f32
    %div3A_28 = vector.broadcast %div3A : f32 to vector<128x8192xf32>
    %div3A_29 = arith.divf %div3A_28, %sub3A : vector<128x8192xf32>
    %swap3A_30 = arith.constant 0 : index
    %swap3A_31 = arith.constant 0 : index
    %swap3A_32 = arith.constant 0 : index
    %swap3A_33 = vector.load %arg3[%swap3A_30, %swap3A_31, %swap3A_32] : memref<1x128x8192xf32, #tpu.memory_space<vmem>>, vector<1x128x8192xf32>
    %swap3A_34 = vector.shape_cast %swap3A_33 : vector<1x128x8192xf32> to vector<128x8192xf32>
    %swap3A_35 = vector.shape_cast %div3A_29 : vector<128x8192xf32> to vector<1x128x8192xf32>
    tpu.vector_store %arg3[%swap3A_30, %swap3A_31, %swap3A_32], %swap3A_35 {strides = array<i32>} : memref<1x128x8192xf32, #tpu.memory_space<vmem>>, vector<1x128x8192xf32>,
    %get3A_36 = arith.constant 0 : index
    %get3A_37 = arith.constant 0 : index
    %get3A_38 = vector.load %arg8[%get3A_36, %get3A_37] : memref<8192x64xf32, #tpu.memory_space<vmem>>, vector<8192x64xf32>
    %dot_general3A_39 = arith.constant dense<0.000000e+00> : vector<128x64xf32>
    %dot_general3A_40 = tpu.matmul %sub3A, %get3A_38, %dot_general3A_39 {dimension_numbers = #tpu.dot_dimension_numbers<[1], [0], [0], [1], [0, 0, 1, 1], [], []>, precision = #tpu.contract_precision<fp32>, transpose_lhs_hint = false} : vector<128x8192xf32>, vector<8192x64xf32>, vector<128x64xf32> -> vector<128x64xf32>
    %reduce_min3A = arith.constant dense<0x7F800000> : vector<128xf32>
    %reduce_min3A_41 = vector.multi_reduction <minimumf>, %dot_general3A_40, %reduce_min3A [1] : vector<128x64xf32> to vector<128xf32>
    %broadcast_in_dim3A_42 = vector.shape_cast %reduce_min3A_41 : vector<128xf32> to vector<128x1xf32>
    %iota3A = tpu.iota {dimensions = array<i32: 1>} : vector<128x64xi32>
    %eq3A_43 = vector.broadcast %broadcast_in_dim3A_42 : vector<128x1xf32> to vector<128x64xf32>
    %eq3A_44 = arith.cmpf oeq, %dot_general3A_40, %eq3A_43 : vector<128x64xf32>
    %jit3A = arith.constant 64 : i32
    %broadcast_in_dim3A_45 = vector.broadcast %jit3A : i32 to vector<128x64xi32>
    %select_n3A = arith.select %eq3A_44, %iota3A, %broadcast_in_dim3A_45 : vector<128x64xi1>, vector<128x64xi32>
    %reduce_min3A_46 = arith.constant dense<2147483647> : vector<128xi32>
    %reduce_min3A_47 = vector.multi_reduction <minsi>, %select_n3A, %reduce_min3A_46 [1] : vector<128x64xi32> to vector<128xi32>
    %broadcast_in_dim3A_48 = vector.shape_cast %reduce_min3A_47 : vector<128xi32> to vector<128x1xi32>
    %and3A = arith.constant 32 : i32
    %and3A_49 = vector.broadcast %and3A : i32 to vector<128x1xi32>
    %and3A_50 = arith.andi %broadcast_in_dim3A_48, %and3A_49 : vector<128x1xi32>
    %ne3A = arith.constant 0 : i32
    %ne3A_51 = vector.broadcast %ne3A : i32 to vector<128x1xi32>
    %ne3A_52 = arith.cmpi ne, %and3A_50, %ne3A_51 : vector<128x1xi32>
    %slice3A = vector.extract_strided_slice %div3A_29 {offsets = [0, 4096], sizes = [128, 4096], strides = [1, 1]} : vector<128x8192xf32> to vector<128x4096xf32>
    %slice3A_53 = vector.extract_strided_slice %div3A_29 {offsets = [0, 0], sizes = [128, 4096], strides = [1, 1]} : vector<128x8192xf32> to vector<128x4096xf32>
    %broadcast_in_dim3A_54 = vector.shape_cast %ne3A_52 : vector<128x1xi1> to vector<128x1xi1>
    %broadcast_in_dim3A_55 = vector.broadcast %broadcast_in_dim3A_54 : vector<128x1xi1> to vector<128x4096xi1>
    %select_n3A_56 = arith.select %broadcast_in_dim3A_55, %slice3A, %slice3A_53 : vector<128x4096xi1>, vector<128x4096xf32>
    %and3A_57 = arith.constant 16 : i32
    %and3A_58 = vector.broadcast %and3A_57 : i32 to vector<128x1xi32>
    %and3A_59 = arith.andi %broadcast_in_dim3A_48, %and3A_58 : vector<128x1xi32>
    %ne3A_60 = arith.constant 0 : i32
    %ne3A_61 = vector.broadcast %ne3A_60 : i32 to vector<128x1xi32>
    %ne3A_62 = arith.cmpi ne, %and3A_59, %ne3A_61 : vector<128x1xi32>
    %slice3A_63 = vector.extract_strided_slice %select_n3A_56 {offsets = [0, 2048], sizes = [128, 2048], strides = [1, 1]} : vector<128x4096xf32> to vector<128x2048xf32>
    %slice3A_64 = vector.extract_strided_slice %select_n3A_56 {offsets = [0, 0], sizes = [128, 2048], strides = [1, 1]} : vector<128x4096xf32> to vector<128x2048xf32>
    %broadcast_in_dim3A_65 = vector.shape_cast %ne3A_62 : vector<128x1xi1> to vector<128x1xi1>
    %broadcast_in_dim3A_66 = vector.broadcast %broadcast_in_dim3A_65 : vector<128x1xi1> to vector<128x2048xi1>
    %select_n3A_67 = arith.select %broadcast_in_dim3A_66, %slice3A_63, %slice3A_64 : vector<128x2048xi1>, vector<128x2048xf32>
    %and3A_68 = arith.constant 8 : i32
    %and3A_69 = vector.broadcast %and3A_68 : i32 to vector<128x1xi32>
    %and3A_70 = arith.andi %broadcast_in_dim3A_48, %and3A_69 : vector<128x1xi32>
    %ne3A_71 = arith.constant 0 : i32
    %ne3A_72 = vector.broadcast %ne3A_71 : i32 to vector<128x1xi32>
    %ne3A_73 = arith.cmpi ne, %and3A_70, %ne3A_72 : vector<128x1xi32>
    %slice3A_74 = vector.extract_strided_slice %select_n3A_67 {offsets = [0, 1024], sizes = [128, 1024], strides = [1, 1]} : vector<128x2048xf32> to vector<128x1024xf32>
    %slice3A_75 = vector.extract_strided_slice %select_n3A_67 {offsets = [0, 0], sizes = [128, 1024], strides = [1, 1]} : vector<128x2048xf32> to vector<128x1024xf32>
    %broadcast_in_dim3A_76 = vector.shape_cast %ne3A_73 : vector<128x1xi1> to vector<128x1xi1>
    %broadcast_in_dim3A_77 = vector.broadcast %broadcast_in_dim3A_76 : vector<128x1xi1> to vector<128x1024xi1>
    %select_n3A_78 = arith.select %broadcast_in_dim3A_77, %slice3A_74, %slice3A_75 : vector<128x1024xi1>, vector<128x1024xf32>
    %and3A_79 = arith.constant 4 : i32
    %and3A_80 = vector.broadcast %and3A_79 : i32 to vector<128x1xi32>
    %and3A_81 = arith.andi %broadcast_in_dim3A_48, %and3A_80 : vector<128x1xi32>
    %ne3A_82 = arith.constant 0 : i32
    %ne3A_83 = vector.broadcast %ne3A_82 : i32 to vector<128x1xi32>
    %ne3A_84 = arith.cmpi ne, %and3A_81, %ne3A_83 : vector<128x1xi32>
    %slice3A_85 = vector.extract_strided_slice %select_n3A_78 {offsets = [0, 512], sizes = [128, 512], strides = [1, 1]} : vector<128x1024xf32> to vector<128x512xf32>
    %slice3A_86 = vector.extract_strided_slice %select_n3A_78 {offsets = [0, 0], sizes = [128, 512], strides = [1, 1]} : vector<128x1024xf32> to vector<128x512xf32>
    %broadcast_in_dim3A_87 = vector.shape_cast %ne3A_84 : vector<128x1xi1> to vector<128x1xi1>
    %broadcast_in_dim3A_88 = vector.broadcast %broadcast_in_dim3A_87 : vector<128x1xi1> to vector<128x512xi1>
    %select_n3A_89 = arith.select %broadcast_in_dim3A_88, %slice3A_85, %slice3A_86 : vector<128x512xi1>, vector<128x512xf32>
    %and3A_90 = arith.constant 2 : i32
    %and3A_91 = vector.broadcast %and3A_90 : i32 to vector<128x1xi32>
    %and3A_92 = arith.andi %broadcast_in_dim3A_48, %and3A_91 : vector<128x1xi32>
    %ne3A_93 = arith.constant 0 : i32
    %ne3A_94 = vector.broadcast %ne3A_93 : i32 to vector<128x1xi32>
    %ne3A_95 = arith.cmpi ne, %and3A_92, %ne3A_94 : vector<128x1xi32>
    %slice3A_96 = vector.extract_strided_slice %select_n3A_89 {offsets = [0, 256], sizes = [128, 256], strides = [1, 1]} : vector<128x512xf32> to vector<128x256xf32>
    %slice3A_97 = vector.extract_strided_slice %select_n3A_89 {offsets = [0, 0], sizes = [128, 256], strides = [1, 1]} : vector<128x512xf32> to vector<128x256xf32>
    %broadcast_in_dim3A_98 = vector.shape_cast %ne3A_95 : vector<128x1xi1> to vector<128x1xi1>
    %broadcast_in_dim3A_99 = vector.broadcast %broadcast_in_dim3A_98 : vector<128x1xi1> to vector<128x256xi1>
    %select_n3A_100 = arith.select %broadcast_in_dim3A_99, %slice3A_96, %slice3A_97 : vector<128x256xi1>, vector<128x256xf32>
    %and3A_101 = arith.constant 1 : i32
    %and3A_102 = vector.broadcast %and3A_101 : i32 to vector<128x1xi32>
    %and3A_103 = arith.andi %broadcast_in_dim3A_48, %and3A_102 : vector<128x1xi32>
    %ne3A_104 = arith.constant 0 : i32
    %ne3A_105 = vector.broadcast %ne3A_104 : i32 to vector<128x1xi32>
    %ne3A_106 = arith.cmpi ne, %and3A_103, %ne3A_105 : vector<128x1xi32>
    %slice3A_107 = vector.extract_strided_slice %select_n3A_100 {offsets = [0, 128], sizes = [128, 128], strides = [1, 1]} : vector<128x256xf32> to vector<128x128xf32>
    %slice3A_108 = vector.extract_strided_slice %select_n3A_100 {offsets = [0, 0], sizes = [128, 128], strides = [1, 1]} : vector<128x256xf32> to vector<128x128xf32>
    %broadcast_in_dim3A_109 = vector.shape_cast %ne3A_106 : vector<128x1xi1> to vector<128x1xi1>
    %broadcast_in_dim3A_110 = vector.broadcast %broadcast_in_dim3A_109 : vector<128x1xi1> to vector<128x128xi1>
    %select_n3A_111 = arith.select %broadcast_in_dim3A_110, %slice3A_107, %slice3A_108 : vector<128x128xi1>, vector<128x128xf32>
    %iota3A_112 = tpu.iota {dimensions = array<i32: 1>} : vector<128x128xi32>
    %reduce_max3A = arith.constant dense<0xFF800000> : vector<128xf32>
    %reduce_max3A_113 = vector.multi_reduction <maximumf>, %select_n3A_111, %reduce_max3A [1] : vector<128x128xf32> to vector<128xf32>
    %broadcast_in_dim3A_114 = vector.shape_cast %reduce_max3A_113 : vector<128xf32> to vector<128x1xf32>
    %eq3A_115 = vector.broadcast %broadcast_in_dim3A_114 : vector<128x1xf32> to vector<128x128xf32>
    %eq3A_116 = arith.cmpf oeq, %select_n3A_111, %eq3A_115 : vector<128x128xf32>
    %jit3A_117 = arith.constant 128 : i32
    %broadcast_in_dim3A_118 = vector.broadcast %jit3A_117 : i32 to vector<128x128xi32>
    %select_n3A_119 = arith.select %eq3A_116, %iota3A_112, %broadcast_in_dim3A_118 : vector<128x128xi1>, vector<128x128xi32>
    %reduce_min3A_120 = arith.constant dense<2147483647> : vector<128xi32>
    %reduce_min3A_121 = vector.multi_reduction <minsi>, %select_n3A_119, %reduce_min3A_120 [1] : vector<128x128xi32> to vector<128xi32>
    %broadcast_in_dim3A_122 = vector.shape_cast %reduce_min3A_121 : vector<128xi32> to vector<128x1xi32>
    %eq3A_123 = vector.broadcast %broadcast_in_dim3A_122 : vector<128x1xi32> to vector<128x128xi32>
    %eq3A_124 = arith.cmpi eq, %iota3A_112, %eq3A_123 : vector<128x128xi32>
    %jit3A_125 = arith.constant -1.000000e+00 : f32
    %broadcast_in_dim3A_126 = vector.broadcast %jit3A_125 : f32 to vector<128x128xf32>
    %select_n3A_127 = arith.select %eq3A_124, %broadcast_in_dim3A_126, %select_n3A_111 : vector<128x128xi1>, vector<128x128xf32>
    %reduce_max3A_128 = arith.constant dense<0xFF800000> : vector<128xf32>
    %reduce_max3A_129 = vector.multi_reduction <maximumf>, %select_n3A_127, %reduce_max3A_128 [1] : vector<128x128xf32> to vector<128xf32>
    %broadcast_in_dim3A_130 = vector.shape_cast %reduce_max3A_129 : vector<128xf32> to vector<128x1xf32>
    %eq3A_131 = vector.broadcast %broadcast_in_dim3A_130 : vector<128x1xf32> to vector<128x128xf32>
    %eq3A_132 = arith.cmpf oeq, %select_n3A_127, %eq3A_131 : vector<128x128xf32>
    %jit3A_133 = arith.constant 128 : i32
    %broadcast_in_dim3A_134 = vector.broadcast %jit3A_133 : i32 to vector<128x128xi32>
    %select_n3A_135 = arith.select %eq3A_132, %iota3A_112, %broadcast_in_dim3A_134 : vector<128x128xi1>, vector<128x128xi32>
    %reduce_min3A_136 = arith.constant dense<2147483647> : vector<128xi32>
    %reduce_min3A_137 = vector.multi_reduction <minsi>, %select_n3A_135, %reduce_min3A_136 [1] : vector<128x128xi32> to vector<128xi32>
    %broadcast_in_dim3A_138 = vector.shape_cast %reduce_min3A_137 : vector<128xi32> to vector<128x1xi32>
    %eq3A_139 = vector.broadcast %broadcast_in_dim3A_138 : vector<128x1xi32> to vector<128x128xi32>
    %eq3A_140 = arith.cmpi eq, %iota3A_112, %eq3A_139 : vector<128x128xi32>
    %jit3A_141 = arith.constant -1.000000e+00 : f32
    %broadcast_in_dim3A_142 = vector.broadcast %jit3A_141 : f32 to vector<128x128xf32>
    %select_n3A_143 = arith.select %eq3A_140, %broadcast_in_dim3A_142, %select_n3A_127 : vector<128x128xi1>, vector<128x128xf32>
    %reduce_max3A_144 = arith.constant dense<0xFF800000> : vector<128xf32>
    %reduce_max3A_145 = vector.multi_reduction <maximumf>, %select_n3A_143, %reduce_max3A_144 [1] : vector<128x128xf32> to vector<128xf32>
    %broadcast_in_dim3A_146 = vector.shape_cast %reduce_max3A_145 : vector<128xf32> to vector<128x1xf32>
    %eq3A_147 = vector.broadcast %broadcast_in_dim3A_146 : vector<128x1xf32> to vector<128x128xf32>
    %eq3A_148 = arith.cmpf oeq, %select_n3A_143, %eq3A_147 : vector<128x128xf32>
    %jit3A_149 = arith.constant 128 : i32
    %broadcast_in_dim3A_150 = vector.broadcast %jit3A_149 : i32 to vector<128x128xi32>
    %select_n3A_151 = arith.select %eq3A_148, %iota3A_112, %broadcast_in_dim3A_150 : vector<128x128xi1>, vector<128x128xi32>
    %reduce_min3A_152 = arith.constant dense<2147483647> : vector<128xi32>
    %reduce_min3A_153 = vector.multi_reduction <minsi>, %select_n3A_151, %reduce_min3A_152 [1] : vector<128x128xi32> to vector<128xi32>
    %broadcast_in_dim3A_154 = vector.shape_cast %reduce_min3A_153 : vector<128xi32> to vector<128x1xi32>
    %eq3A_155 = vector.broadcast %broadcast_in_dim3A_154 : vector<128x1xi32> to vector<128x128xi32>
    %eq3A_156 = arith.cmpi eq, %iota3A_112, %eq3A_155 : vector<128x128xi32>
    %jit3A_157 = arith.constant -1.000000e+00 : f32
    %broadcast_in_dim3A_158 = vector.broadcast %jit3A_157 : f32 to vector<128x128xf32>
    %select_n3A_159 = arith.select %eq3A_156, %broadcast_in_dim3A_158, %select_n3A_143 : vector<128x128xi1>, vector<128x128xf32>
    %reduce_max3A_160 = arith.constant dense<0xFF800000> : vector<128xf32>
    %reduce_max3A_161 = vector.multi_reduction <maximumf>, %select_n3A_159, %reduce_max3A_160 [1] : vector<128x128xf32> to vector<128xf32>
    %broadcast_in_dim3A_162 = vector.shape_cast %reduce_max3A_161 : vector<128xf32> to vector<128x1xf32>
    %eq3A_163 = vector.broadcast %broadcast_in_dim3A_162 : vector<128x1xf32> to vector<128x128xf32>
    %eq3A_164 = arith.cmpf oeq, %select_n3A_159, %eq3A_163 : vector<128x128xf32>
    %jit3A_165 = arith.constant 128 : i32
    %broadcast_in_dim3A_166 = vector.broadcast %jit3A_165 : i32 to vector<128x128xi32>
    %select_n3A_167 = arith.select %eq3A_164, %iota3A_112, %broadcast_in_dim3A_166 : vector<128x128xi1>, vector<128x128xi32>
    %reduce_min3A_168 = arith.constant dense<2147483647> : vector<128xi32>
    %reduce_min3A_169 = vector.multi_reduction <minsi>, %select_n3A_167, %reduce_min3A_168 [1] : vector<128x128xi32> to vector<128xi32>
    %broadcast_in_dim3A_170 = vector.shape_cast %reduce_min3A_169 : vector<128xi32> to vector<128x1xi32>
    %eq3A_171 = vector.broadcast %broadcast_in_dim3A_170 : vector<128x1xi32> to vector<128x128xi32>
    %eq3A_172 = arith.cmpi eq, %iota3A_112, %eq3A_171 : vector<128x128xi32>
    %jit3A_173 = arith.constant -1.000000e+00 : f32
    %broadcast_in_dim3A_174 = vector.broadcast %jit3A_173 : f32 to vector<128x128xf32>
    %select_n3A_175 = arith.select %eq3A_172, %broadcast_in_dim3A_174, %select_n3A_159 : vector<128x128xi1>, vector<128x128xf32>
    %reduce_max3A_176 = arith.constant dense<0xFF800000> : vector<128xf32>
    %reduce_max3A_177 = vector.multi_reduction <maximumf>, %select_n3A_175, %reduce_max3A_176 [1] : vector<128x128xf32> to vector<128xf32>
    %broadcast_in_dim3A_178 = vector.shape_cast %reduce_max3A_177 : vector<128xf32> to vector<128x1xf32>
    %eq3A_179 = vector.broadcast %broadcast_in_dim3A_178 : vector<128x1xf32> to vector<128x128xf32>
    %eq3A_180 = arith.cmpf oeq, %select_n3A_175, %eq3A_179 : vector<128x128xf32>
    %jit3A_181 = arith.constant 128 : i32
    %broadcast_in_dim3A_182 = vector.broadcast %jit3A_181 : i32 to vector<128x128xi32>
    %select_n3A_183 = arith.select %eq3A_180, %iota3A_112, %broadcast_in_dim3A_182 : vector<128x128xi1>, vector<128x128xi32>
    %reduce_min3A_184 = arith.constant dense<2147483647> : vector<128xi32>
    %reduce_min3A_185 = vector.multi_reduction <minsi>, %select_n3A_183, %reduce_min3A_184 [1] : vector<128x128xi32> to vector<128xi32>
    %broadcast_in_dim3A_186 = vector.shape_cast %reduce_min3A_185 : vector<128xi32> to vector<128x1xi32>
    %eq3A_187 = vector.broadcast %broadcast_in_dim3A_186 : vector<128x1xi32> to vector<128x128xi32>
    %eq3A_188 = arith.cmpi eq, %iota3A_112, %eq3A_187 : vector<128x128xi32>
    %jit3A_189 = arith.constant -1.000000e+00 : f32
    %broadcast_in_dim3A_190 = vector.broadcast %jit3A_189 : f32 to vector<128x128xf32>
    %select_n3A_191 = arith.select %eq3A_188, %broadcast_in_dim3A_190, %select_n3A_175 : vector<128x128xi1>, vector<128x128xf32>
    %reduce_max3A_192 = arith.constant dense<0xFF800000> : vector<128xf32>
    %reduce_max3A_193 = vector.multi_reduction <maximumf>, %select_n3A_191, %reduce_max3A_192 [1] : vector<128x128xf32> to vector<128xf32>
    %broadcast_in_dim3A_194 = vector.shape_cast %reduce_max3A_193 : vector<128xf32> to vector<128x1xf32>
    %eq3A_195 = vector.broadcast %broadcast_in_dim3A_194 : vector<128x1xf32> to vector<128x128xf32>
    %eq3A_196 = arith.cmpf oeq, %select_n3A_191, %eq3A_195 : vector<128x128xf32>
    %jit3A_197 = arith.constant 128 : i32
    %broadcast_in_dim3A_198 = vector.broadcast %jit3A_197 : i32 to vector<128x128xi32>
    %select_n3A_199 = arith.select %eq3A_196, %iota3A_112, %broadcast_in_dim3A_198 : vector<128x128xi1>, vector<128x128xi32>
    %reduce_min3A_200 = arith.constant dense<2147483647> : vector<128xi32>
    %reduce_min3A_201 = vector.multi_reduction <minsi>, %select_n3A_199, %reduce_min3A_200 [1] : vector<128x128xi32> to vector<128xi32>
    %broadcast_in_dim3A_202 = vector.shape_cast %reduce_min3A_201 : vector<128xi32> to vector<128x1xi32>
    %eq3A_203 = vector.broadcast %broadcast_in_dim3A_202 : vector<128x1xi32> to vector<128x128xi32>
    %eq3A_204 = arith.cmpi eq, %iota3A_112, %eq3A_203 : vector<128x128xi32>
    %jit3A_205 = arith.constant -1.000000e+00 : f32
    %broadcast_in_dim3A_206 = vector.broadcast %jit3A_205 : f32 to vector<128x128xf32>
    %select_n3A_207 = arith.select %eq3A_204, %broadcast_in_dim3A_206, %select_n3A_191 : vector<128x128xi1>, vector<128x128xf32>
    %reduce_max3A_208 = arith.constant dense<0xFF800000> : vector<128xf32>
    %reduce_max3A_209 = vector.multi_reduction <maximumf>, %select_n3A_207, %reduce_max3A_208 [1] : vector<128x128xf32> to vector<128xf32>
    %broadcast_in_dim3A_210 = vector.shape_cast %reduce_max3A_209 : vector<128xf32> to vector<128x1xf32>
    %eq3A_211 = vector.broadcast %broadcast_in_dim3A_210 : vector<128x1xf32> to vector<128x128xf32>
    %eq3A_212 = arith.cmpf oeq, %select_n3A_207, %eq3A_211 : vector<128x128xf32>
    %jit3A_213 = arith.constant 128 : i32
    %broadcast_in_dim3A_214 = vector.broadcast %jit3A_213 : i32 to vector<128x128xi32>
    %select_n3A_215 = arith.select %eq3A_212, %iota3A_112, %broadcast_in_dim3A_214 : vector<128x128xi1>, vector<128x128xi32>
    %reduce_min3A_216 = arith.constant dense<2147483647> : vector<128xi32>
    %reduce_min3A_217 = vector.multi_reduction <minsi>, %select_n3A_215, %reduce_min3A_216 [1] : vector<128x128xi32> to vector<128xi32>
    %broadcast_in_dim3A_218 = vector.shape_cast %reduce_min3A_217 : vector<128xi32> to vector<128x1xi32>
    %eq3A_219 = vector.broadcast %broadcast_in_dim3A_218 : vector<128x1xi32> to vector<128x128xi32>
    %eq3A_220 = arith.cmpi eq, %iota3A_112, %eq3A_219 : vector<128x128xi32>
    %jit3A_221 = arith.constant -1.000000e+00 : f32
    %broadcast_in_dim3A_222 = vector.broadcast %jit3A_221 : f32 to vector<128x128xf32>
    %select_n3A_223 = arith.select %eq3A_220, %broadcast_in_dim3A_222, %select_n3A_207 : vector<128x128xi1>, vector<128x128xf32>
    %reduce_max3A_224 = arith.constant dense<0xFF800000> : vector<128xf32>
    %reduce_max3A_225 = vector.multi_reduction <maximumf>, %select_n3A_223, %reduce_max3A_224 [1] : vector<128x128xf32> to vector<128xf32>
    %broadcast_in_dim3A_226 = vector.shape_cast %reduce_max3A_225 : vector<128xf32> to vector<128x1xf32>
    %eq3A_227 = vector.broadcast %broadcast_in_dim3A_226 : vector<128x1xf32> to vector<128x128xf32>
    %eq3A_228 = arith.cmpf oeq, %select_n3A_223, %eq3A_227 : vector<128x128xf32>
    %jit3A_229 = arith.constant 128 : i32
    %broadcast_in_dim3A_230 = vector.broadcast %jit3A_229 : i32 to vector<128x128xi32>
    %select_n3A_231 = arith.select %eq3A_228, %iota3A_112, %broadcast_in_dim3A_230 : vector<128x128xi1>, vector<128x128xi32>
    %reduce_min3A_232 = arith.constant dense<2147483647> : vector<128xi32>
    %reduce_min3A_233 = vector.multi_reduction <minsi>, %select_n3A_231, %reduce_min3A_232 [1] : vector<128x128xi32> to vector<128xi32>
    %broadcast_in_dim3A_234 = vector.shape_cast %reduce_min3A_233 : vector<128xi32> to vector<128x1xi32>
    %add3A_235 = arith.addf %broadcast_in_dim3A_114, %broadcast_in_dim3A_130 : vector<128x1xf32>
    %add3A_236 = arith.addf %add3A_235, %broadcast_in_dim3A_146 : vector<128x1xf32>
    %add3A_237 = arith.addf %add3A_236, %broadcast_in_dim3A_162 : vector<128x1xf32>
    %add3A_238 = arith.addf %add3A_237, %broadcast_in_dim3A_178 : vector<128x1xf32>
    %add3A_239 = arith.addf %add3A_238, %broadcast_in_dim3A_194 : vector<128x1xf32>
    %add3A_240 = arith.addf %add3A_239, %broadcast_in_dim3A_210 : vector<128x1xf32>
    %add3A_241 = arith.addf %add3A_240, %broadcast_in_dim3A_226 : vector<128x1xf32>
    %max3A = arith.constant 9.99999996E-13 : f32
    %max3A_242 = vector.broadcast %max3A : f32 to vector<128x1xf32>
    %max3A_243 = arith.maximumf %add3A_241, %max3A_242 : vector<128x1xf32>
    %concatenate3A = tpu.concatenate %broadcast_in_dim3A_114, %broadcast_in_dim3A_130, %broadcast_in_dim3A_146, %broadcast_in_dim3A_162, %broadcast_in_dim3A_178, %broadcast_in_dim3A_194, %broadcast_in_dim3A_210, %broadcast_in_dim3A_226 in 1 : vector<128x1xf32>, vector<128x1xf32>, vector<128x1xf32>, vector<128x1xf32>, vector<128x1xf32>, vector<128x1xf32>, vector<128x1xf32>, vector<128x1xf32> -> vector<128x8xf32>
    %div3A_244 = vector.broadcast %max3A_243 : vector<128x1xf32> to vector<128x8xf32>
    %div3A_245 = arith.divf %concatenate3A, %div3A_244 : vector<128x8xf32>
    %swap3A_246 = arith.constant 0 : index
    %swap3A_247 = arith.constant 0 : index
    %swap3A_248 = vector.load %arg5[%swap3A_246, %swap3A_247] : memref<128x8xf32, #tpu.memory_space<vmem>>, vector<128x8xf32>
    tpu.vector_store %arg5[%swap3A_246, %swap3A_247], %div3A_245 {strides = array<i32>} : memref<128x8xf32, #tpu.memory_space<vmem>>, vector<128x8xf32>,
    %mul3A_249 = arith.constant 128 : i32
    %mul3A_250 = vector.broadcast %mul3A_249 : i32 to vector<128x1xi32>
    %mul3A_251 = arith.muli %broadcast_in_dim3A_48, %mul3A_250 : vector<128x1xi32>
    %concatenate3A_252 = tpu.concatenate %broadcast_in_dim3A_122, %broadcast_in_dim3A_138, %broadcast_in_dim3A_154, %broadcast_in_dim3A_170, %broadcast_in_dim3A_186, %broadcast_in_dim3A_202, %broadcast_in_dim3A_218, %broadcast_in_dim3A_234 in 1 : vector<128x1xi32>, vector<128x1xi32>, vector<128x1xi32>, vector<128x1xi32>, vector<128x1xi32>, vector<128x1xi32>, vector<128x1xi32>, vector<128x1xi32> -> vector<128x8xi32>
    %add3A_253 = vector.broadcast %mul3A_251 : vector<128x1xi32> to vector<128x8xi32>
    %add3A_254 = arith.addi %add3A_253, %concatenate3A_252 : vector<128x8xi32>
    %transpose3A = tpu.transpose %add3A_254, [1, 0] : vector<128x8xi32> -> vector<8x128xi32>
    %swap3A_255 = arith.constant 0 : index
    %swap3A_256 = arith.constant 0 : index
    %swap3A_257 = vector.load %arg4[%swap3A_255, %swap3A_256] : memref<8x128xi32, #tpu.memory_space<vmem>>, vector<8x128xi32>
    tpu.vector_store %arg4[%swap3A_255, %swap3A_256], %transpose3A {strides = array<i32>} : memref<8x128xi32, #tpu.memory_space<vmem>>, vector<8x128xi32>,
    return
  }
  func.func @transform_0(%arg0: i32) -> (i32, i32) {
    %c0_i32 = arith.constant 0 : i32
    %c0_i32_0 = arith.constant 0 : i32
    return %arg0, %c0_i32 : i32, i32
  }
  func.func @transform_1(%arg0: i32) -> (i32, i32) {
    %c0_i32 = arith.constant 0 : i32
    %c0_i32_0 = arith.constant 0 : i32
    %c0_i32_1 = arith.constant 0 : i32
    return %c0_i32, %c0_i32_0 : i32, i32
  }
  func.func @transform_2(%arg0: i32) -> (i32, i32, i32) {
    %c0_i32 = arith.constant 0 : i32
    %c0_i32_0 = arith.constant 0 : i32
    %c0_i32_1 = arith.constant 0 : i32
    return %c0_i32, %arg0, %c0_i32_0 : i32, i32, i32
  }
  func.func @transform_3(%arg0: i32) -> (i32, i32) {
    %c0_i32 = arith.constant 0 : i32
    %c0_i32_0 = arith.constant 0 : i32
    return %c0_i32, %arg0 : i32, i32
  }
  func.func @transform_4(%arg0: i32) -> (i32, i32) {
    %c0_i32 = arith.constant 0 : i32
    %c0_i32_0 = arith.constant 0 : i32
    return %arg0, %c0_i32 : i32, i32
  }
  func.func @transform_5(%arg0: i32) -> (i32, i32) {
    %c0_i32 = arith.constant 0 : i32
    %c0_i32_0 = arith.constant 0 : i32
    return %arg0, %c0_i32 : i32, i32
  }
}

</mosaic_0001>

<sc_bundles>
// kernel: kernel.5.cloned.1.call-start
scs
__scs_entry_jumppad:
0x0: {  	(pc) =	sbr.rel $0x88, $3  }
0x1: {  	(tag) =	ssettag $0x0;
	lr =	simm.s32 $0x1  }
0x2: {  	[smem:$0x3F9F] =	sst lr;
	_ =	strace $0xD0000000  }
0x3: {  	_ = 	snop  }
0x4: {  	_ = 	snop  }
0x5: {  	_ = 	snop  }
0x6: {  	_ = 	snop  }
0x7: {  	_ = 	snop  }
__scs_overlays_trampoline_lowered:
0x8: {  	[smem:$0x3FAE] =	sst s0  }
0x9: {  	[smem:$0x3FAF] =	sst s1  }
0xa: {  	[smem:$0x3FB0] =	sst s2  }
0xb: {  	[smem:$0x3FB1] =	sst s3  }
0xc: {  	[smem:$0x3FB2] =	sst s4  }
0xd: {  	[smem:$0x3FB3] =	sst s5  }
0xe: {  	[smem:$0x3FB4] =	sst s6  }
0xf: {  	[smem:$0x3FB5] =	sst s7  }
0x10: {  	[smem:$0x3FB6] =	sst s8  }
0x11: {  	[smem:$0x3FB7] =	sst s9;
	s0 =	simm.s32 @!p0 $0x0  }
0x12: {  	s1 =	sld [smem:$0x3F9D];
	s0 =	simm.s32 @p0 $0x1  }
0x13: {  	[smem:$0x3FB8] =	sst s0;
	s0 =	simm.s32 @!p1 $0x0  }
0x14: {  	s2 =	sld [smem:$0x3F9C];
	s0 =	simm.s32 @p1 $0x1  }
0x15: {  	[smem:$0x3FB9] =	sst s0;
	s0 =	simm.s32 @!p2 $0x0  }
0x16: {  	s3 =	sld [smem:$0x3FDB];
	s0 =	simm.s32 @p2 $0x1  }
0x17: {  	s4 =	simm.s32 $0x1BF5;
	[smem:$0x3FBB] =	sst s0  }
0x18: {  	s0 =	sld [smem:$0x3F9E];
	_ =	swait.ge [sflag:s4], $0x0  }
0x19: {  	s7 =	sld [smem:$0x3F9F]  }
0x1a: {  	s8 =	sadd.s32 $0xFFFFE003, lr  }
0x1b: {  	s9 =	sadd.s32 $0xFFFFFEF7, lr;
	s5 =	simm.s32 $0xFFFFFFFF;
	p2 =	slt.u32 s8, $0xFFFFF086  }
0x1c: {  	p1 =	slt.u32 s9, $0xF7A;
	s5 =	simm.s32 @!p2 $0x0  }
0x1d: {  	s5 =	simm.s32 @p1 $0x1;
	p0 =	seq.s32 s7, s2  }
0x1e: {  	s7 =	smul.u32 @!p0 $0xF7A, s2;
	p2 =	seq.s32 @!p0 s5, $0x0  }
0x1f: {  	s9 =	smul.u32 $0xF7A, s1;
	s8 =	simm.s32 @!p0 $0x1BF5;
	p2 =	por !p2, p0  }
0x20: {  	[sflag:s8] =	ssyncset.s32 @!p0 $0xFFFFF086;
	s6 =	sadd.s32 @!p0 s3, s7;
	s7 =	simm.s32 @!p0 $0x108  }
0x21: {  	s3 =	sadd.s32 s3, s9;
	s6 =	sadd.s32 @!p0 $0x88, s6;
	s7 =	simm.s32 @p2 $0x1082  }
0x22: {  	[simem:s7], [sflag:s8] =	dma.local @!p0 [hbm:s6], $0xF7A  }
0x23: {  	s9 =	sor.u32 $0xD0000000, s2;
	s6 =	simm.s32 $0x108;
	_ =	swait.ge @!p0 [sflag:s8], $0x0  }
0x24: {  	s3 =	sadd.s32 $0x88, s3;
	s6 =	simm.s32 @!p1 $0x1082;
	[sflag:s4] =	ssyncset.s32 $0xFFFFF086  }
0x25: {  	[simem:s6], [sflag:s4] =	dma.local [hbm:s3], $0xF7A  }
0x26: {  	[smem:$0x3F9F] =	sst s1;
	(tag) =	ssettag s2;
	_ =	strace s9  }
0x27: {  	s1 =	sld [smem:$0x3FAF]  }
0x28: {  	s2 =	sld [smem:$0x3FB0]  }
0x29: {  	s4 =	sld [smem:$0x3FB2]  }
0x2a: {  	p0 =	seq.s32 s5, $0x0;
	s5 =	sld [smem:$0x3FB3]  }
0x2b: {  	s6 =	sld [smem:$0x3FB4]  }
0x2c: {  	s7 =	sld [smem:$0x3FB5]  }
0x2d: {  	s3 =	simm.s32 $0x108;
	s8 =	sld [smem:$0x3FB6]  }
0x2e: {  	s3 =	simm.s32 @!p0 $0x1082;
	s9 =	sld [smem:$0x3FB7]  }
0x2f: {  	lr =	sadd.s32 s0, s3;
	s0 =	sld [smem:$0x3FAE]  }
0x30: {  	s3 =	sld [smem:$0x3FB1]  }
0x31: {  	[smem:$0x3FBA] =	sst s10  }
0x32: {  	s10 =	sld [smem:$0x3FB8];
	_ =	sdelay $0x3  }
0x33: {  	p0 =	seq.s32 s10, $0x1;
	s10 =	sld [smem:$0x3FBA];
	_ =	sdelay $0x3  }
0x34: {  	[smem:$0x3FBA] =	sst s10  }
0x35: {  	s10 =	sld [smem:$0x3FB9];
	_ =	sdelay $0x3  }
0x36: {  	p1 =	seq.s32 s10, $0x1;
	s10 =	sld [smem:$0x3FBA];
	_ =	sdelay $0x3  }
0x37: {  	[smem:$0x3FBA] =	sst s10  }
0x38: {  	s10 =	sld [smem:$0x3FBB]  }
0x39: {  	_ = 	snop;
	(pc) =	sbr.ind lr, $3  }
0x3a: {  	_ = 	snop  }
0x3b: {  	_ = 	snop  }
0x3c: {  	p2 =	seq.s32 s10, $0x1;
	s10 =	sld [smem:$0x3FBA]  }
0x3d: {  	_ =	shalt  }
0x3e: {  	_ =	shalt  }
0x3f: {  	_ =	shalt  }
0x40: {  	_ =	shalt  }
0x41: {  	_ =	shalt  }
0x42: {  	_ =	shalt  }
0x43: {  	_ =	shalt  }
0x44: {  	_ =	shalt  }
0x45: {  	_ =	shalt  }
0x46: {  	_ =	shalt  }
0x47: {  	_ =	shalt  }
0x48: {  	_ =	shalt  }
0x49: {  	_ =	shalt  }
0x4a: {  	_ =	shalt  }
0x4b: {  	_ =	shalt  }
0x4c: {  	_ =	shalt  }
0x4d: {  	_ =	shalt  }
0x4e: {  	_ =	shalt  }
0x4f: {  	_ =	shalt  }
0x50: {  	_ =	shalt  }
0x51: {  	_ =	shalt  }
0x52: {  	_ =	shalt  }
0x53: {  	_ =	shalt  }
0x54: {  	_ =	shalt  }
0x55: {  	_ =	shalt  }
0x56: {  	_ =	shalt  }
0x57: {  	_ =	shalt  }
0x58: {  	_ =	shalt  }
0x59: {  	_ =	shalt  }
0x5a: {  	_ =	shalt  }
0x5b: {  	_ =	shalt  }
0x5c: {  	_ =	shalt  }
0x5d: {  	_ =	shalt  }
0x5e: {  	_ =	shalt  }
0x5f: {  	_ =	shalt  }
0x60: {  	_ =	shalt  }
0x61: {  	_ =	shalt  }
0x62: {  	_ =	shalt  }
0x63: {  	_ =	shalt  }
0x64: {  	_ =	shalt  }
0x65: {  	_ =	shalt  }
0x66: {  	_ =	shalt  }
0x67: {  	_ =	shalt  }
0x68: {  	_ =	shalt  }
0x69: {  	_ =	shalt  }
0x6a: {  	_ =	shalt  }
0x6b: {  	_ =	shalt  }
0x6c: {  	_ =	shalt  }
0x6d: {  	_ =	shalt  }
0x6e: {  	_ =	shalt  }
0x6f: {  	_ =	shalt  }
0x70: {  	_ =	shalt  }
0x71: {  	_ =	shalt  }
0x72: {  	_ =	shalt  }
0x73: {  	_ =	shalt  }
0x74: {  	_ =	shalt  }
0x75: {  	_ =	shalt  }
0x76: {  	_ =	shalt  }
0x77: {  	_ =	shalt  }
0x78: {  	_ =	shalt  }
0x79: {  	_ =	shalt  }
0x7a: {  	_ =	shalt  }
0x7b: {  	_ =	shalt  }
0x7c: {  	_ =	shalt  }
0x7d: {  	_ =	shalt  }
0x7e: {  	_ =	shalt  }
0x7f: {  	_ =	shalt  }
0x80: {  	_ =	shalt  }
0x81: {  	_ =	shalt  }
0x82: {  	_ =	shalt  }
0x83: {  	_ =	shalt  }
0x84: {  	_ =	shalt  }
0x85: {  	_ =	shalt  }
0x86: {  	_ =	shalt  }
0x87: {  	_ =	shalt  }
.Lfunc_end0:
.L_simem_size_0:
called_computation_lowered:
.L_overlay_start_0:
0x88: {  	s2 =	sld [smem:$0x3FD9]  }
0x89: {  	s3 =	sld [smem:$0x3FFE];
	_ =	sdelay $0x1  }
0x8a: {  	s1 =	srdreg.scid  }
0x8b: {  	s0 =	sand.u32 $0x1, s1  }
0x8c: {  	s16 =	sshll.u32 s0, $0xA;
	s2 =	sadd.s32 s3, s2  }
0x8d: {  	s2 =	sadd.s32 s2, s16  }
0x8e: {  	[smem:$0x3FC6] =	sst s2  }
0x8f: {  	_ = 	snop  }
0x90: {  	(tm) =	ssettm $0x1  }
0x91: {  	s17 =	sld [smem:$0x3FFB];
	_ =	sdelay $0x3  }
0x92: {  	_ =	strace s17  }
0x93: {  	s2 =	sld [smem:$0x3FFC];
	_ =	sdelay $0x3  }
0x94: {  	_ =	strace s2  }
0x95: {  	s2 =	sld [smem:$0x3FFD];
	_ =	sdelay $0x3  }
0x96: {  	_ =	strace s2  }
0x97: {  	_ =	strace $0x8FFFFFFF  }
0x98: {  	s18 =	sld [smem:$0x3FDB];
	_ =	sdelay $0x1  }
0x99: {  	s19 =	simm.s32 $_scs_section_size  }
0x9a: {  	s4 =	simm.s32 $_size__tile_overlayer_lowered;
	s5 =	simm.s32 $_tile_overlayer_lowered  }
0x9b: {  	s22 =	simm.s32 $0x1BFF;
	s21 =	sshll.u32 s5, $0x1;
	s2 =	sadd.s32 s19, s18  }
0x9c: {  	s6 =	simm.s32 $0x0;
	s20 =	sshll.u32 s4, $0x1;
	s4 =	sadd.s32 s21, s2  }
0x9d: {  	[timem:s6], [sflag:s22] =	dma.local [hbm:s4], s20  }
0x9e: {  	_ =	swait.ge [sflag:s22], s20  }
0x9f: {  	s3 =	ssub.s32 $0x0, s20;
	[sflag:s22] =	ssyncset.done $0x0  }
0xa0: {  	[sflag:s22] =	ssyncadd.s32 s3;
	_ =	sdelay $0x1  }
0xa1: {  	s23 =	simm.s32 $0x1B8B  }
0xa2: {  	_ =	swait.ge [sflag:s23], $0x1  }
0xa3: {  	[sflag:s23] =	ssyncset.done $0x0  }
0xa4: {  	s25 =	simm.s32 $0x1B8E;
	s24 =	sld [smem:$0x3FFE];
	[sflag:s23] =	ssyncadd.s32 $0xFFFFFFFF  }
0xa5: {  	s26 =	simm.s32 $execute0_lowered;
	[smem:$0x3FD2] =	sst s25  }
0xa6: {  	s4 =	sshll.u32 s26, $0x1;
	_ =	strace $0x80000046;
	[dreg:$0x1] =	wrdreg $0xFFFFFFFF  }
0xa7: {  	s28 =	simm.s32 $_size_execute0_lowered;
	s2 =	sadd.s32 s2, s4;
	[dreg:$0x0] =	wrdreg $0x0  }
0xa8: {  	s4 =	sshll.u32 s28, $0x1;
	[dreg:$0x2] =	wrdreg s2  }
0xa9: {  	[dreg:$0x3] =	wrdreg s4  }
0xaa: {  	[dreg:$0x4] =	wrdreg $0xC0  }
0xab: {  	_ =	task [dreg:s6], $0x5FFFF  }
0xac: {  	[dreg:$0x1] =	wrdreg $0xFFFFFFFF  }
0xad: {  	[dreg:$0x0] =	wrdreg $0x60  }
0xae: {  	[dreg:$0x2] =	wrdreg s24  }
0xaf: {  	[dreg:$0x3] =	wrdreg $0x9  }
0xb0: {  	_ =	task.clear_ibuf [dreg:s6], $0x4FFFF;
	_ =	strace $0x90000046  }
0xb1: {  	s29 =	simm.s32 $0x9;
	_ =	strace $0x80000048  }
0xb2: {  	_ =	swait.ge [sflag:s29], $0x1  }
0xb3: {  	[sflag:s29] =	ssyncadd.s32 $0xFFFFFFFF  }
0xb4: {  	_ =	strace $0x90000048  }
0xb5: {  	_ =	sfence  }
0xb6: {  	s30 =	sld [smem:$0x0];
	_ =	sdelay $0x2  }
0xb7: {  	s31 =	sshll.u32 s1, $0xD;
	s1 =	sshrl.u32 s1, $0x2  }
0xb8: {  	s3 =	sand.u32 $0x4000, s31;
	s1 =	sadd.s32 s1, s30  }
0xb9: {  	s0 =	sor.u32 s3, s0;
	s1 =	sshll.u32 s1, $0x11  }
0xba: {  	s0 =	sor.u32 s1, s0  }
0xbb: {  	s0 =	sadd.s32 $0x8F2B, s0  }
0xbc: {  	[sflag:s0] =	ssyncadd.remote.s32 $0x1  }
0xbd: {  	_ =	sfence.sel $0xFFFF  }
0xbe: {  	[dreg:$0x0] =	wrdreg $0xFFFFFFFF;
	(pc) =	sbr.abs _section_cstart, $3  }
0xbf: {  	[dreg:$0x1] =	wrdreg $0xFFFFFFFF  }
0xc0: {  	_ =	task.clear_ibuf [dreg:s6], $0x2FFFF;
	_ =	strace $0x9FFFFFFF  }
0xc1: {  	(tm) =	ssettm $0x7FFFFFFF  }
tec
execute0_lowered:
.L_overlay_start_1:
0x0: {  	(tag) =	ssettag $0x1  }
0x1: {  	s0 =	stileid.u32;
	s1 =	srdreg.scid  }
0x2: {  	s4 =	rddreg [dreg:$0x0];
	s18 =	simm.s32 $0x880;
	s19 =	simm.s32 $0x1080  }
0x3: {  	s20 =	simm.s32 $0x1880;
	s21 =	simm.s32 $0x2080;
	s23 =	simm.s32 $0x2880  }
0x4: {  	s24 =	simm.s32 $0x3080;
	s25 =	simm.s32 $0x3880;
	s26 =	simm.s32 $0x4080  }
0x5: {  	s7 =	simm.s32 $0x80;
	s9 =	simm.s32 $0x5080;
	s10 =	simm.s32 $0x5880  }
0x6: {  	s11 =	simm.s32 $0x6080;
	s12 =	simm.s32 $0x6880;
	s13 =	simm.s32 $0x7080  }
0x7: {  	s14 =	simm.s32 $0x7880;
	s1 =	sand.u32 $0x1, s1;
	s2 =	sshll.u32 s0, $0x1  }
0x8: {  	s15 =	simm.s32 $0x8080;
	s5 =	sor.u32 s1, s2;
	s2 =	simm.s32 $0x0  }
0x9: {  	s16 =	simm.s32 $0x8880;
	s28 =	simm.s32 $0xE080;
	[smem:$0x7FF] =	sst s2  }
0xa: {  	s29 =	simm.s32 $0xE880;
	_ =	strace $0x80000047;
	[dreg:$0x4] =	wrdreg s18  }
0xb: {  	s30 =	simm.s32 $0xF080;
	s3 =	sshll.u32 s0, $0x3;
	[dreg:$0x5] =	wrdreg s19  }
0xc: {  	s31 =	simm.s32 $0xF880;
	s3 =	sand.u32 $0x70, s3;
	[dreg:$0x6] =	wrdreg s20  }
0xd: {  	s1 =	ssub.s32 $0x2, s1;
	s6 =	sshll.u32 s5, $0x7;
	[dreg:$0x7] =	wrdreg s21  }
0xe: {  	s3 =	sadd.s32 s3, s4;
	s5 =	sshll.u32 s5, $0xD;
	[dreg:$0x8] =	wrdreg s23  }
0xf: {  	s22 =	sshrl.u32 s1, $0x1;
	s6 =	sand.u32 $0x180, s6;
	[dreg:$0x9] =	wrdreg s24  }
0x10: {  	s5 =	sadd.s32 s5, s4;
	s1 =	ssub.s32 s1, s22;
	[dreg:$0xa] =	wrdreg s25  }
0x11: {  	[dreg:$0xb] =	wrdreg s26;
	s18 =	simm.s32 $0x9880;
	s19 =	simm.s32 $0xA080  }
0x12: {  	s20 =	simm.s32 $0xA880;
	s21 =	simm.s32 $0xB080;
	s22 =	simm.s32 $0xB880  }
0x13: {  	s23 =	simm.s32 $0xC080;
	s24 =	simm.s32 $0xC880;
	s25 =	simm.s32 $0xD080  }
0x14: {  	s26 =	simm.s32 $0xD880;
	s3 =	sadd.s32 s6, s3;
	s17 =	sadd.s32 $0x1000, s5  }
0x15: {  	v2 =	vlaneseq.u32;
	s5 =	smax.u32 s1, $0x1;
	s6 =	simm.s32 $0x2;
	s1 =	simm.s32 $0x1  }
0x16: {  	vm0 =	vmmov $0xffff;
	v1 =	vshrl.u32 v2, $0x3;
	s3 =	sadd.s32 $0x103000, s3;
	[dreg:$0x3] =	wrdreg s17;
	s17 =	simm.s32 $0x9080  }
0x17: {  	v0 =	vand.u32 $0x7, v2;
	v2 =	vor.u32 $0x8, v2;
	v1 =	vmul.u32 $0x8, v1;
	[dreg:$0x2] =	wrdreg s3;
	s3 =	sadd.s32 $0x81000, s4;
	s4 =	sadd.s32 $0x81100, s4  }
.LBB2_1:
0x18: {  	s0 =	rddreg [dreg:$0x2]  }
0x19: {  	[tilespmem:s2], [sflag:$0x2] =	stream.linear.gather [hbm4b:s0+s2], $0x80, $0x38;
	[tilespmem:$0x10080] =	vst v63  }
0x1a: {  	_ =	swait.ge [sflag:s6], $0x80  }
0x1b: {  	[sflag:s6] =	ssyncset.done $0x0  }
0x1c: {  	[sflag:s6] =	ssyncadd.s32 $0xFFFFFF80  }
0x1d: {  	v3 =	vld [tilespmem:$0x0];
	_ =	sdelay $0x4  }
0x1e: {  	v4 =	vshll.u32 v3, $0x2  }
0x1f: {  	v3 =	vand.u32 $0x7, v3;
	v4 =	vand.u32 $0xFFFFFFE0, v4  }
0x20: {  	v3 =	vor.u32 v3, v4  }
0x21: {  	v4 =	vperm.xlane v3, v0;
	_ =	sdelay $0x1  }
0x22: {  	v4 =	vadd.s32 v1, v4;
	_ =	sdelay $0x1  }
0x23: {  	v3 =	vperm.xlane v3, v2;
	_ =	sdelay $0x1  }
0x24: {  	v3 =	vadd.s32 v1, v3  }
0x25: {  	[tilespmem:s7], [sflag:$0x1] =	stream.indirect_vreg.gather [hbm4b:s3+s2], $0x80, v4, vm0, $0xb8;
	[tilespmem:$0x10080] =	vst v63  }
0x26: {  	s0 =	rddreg [dreg:$0x4]  }
0x27: {  	[tilespmem:s0], [sflag:$0x1] =	stream.indirect_vreg.gather [hbm4b:s4+s2], $0x80, v4, vm0, $0xb8;
	[tilespmem:$0x10080] =	vst v63  }
0x28: {  	s8 =	rddreg [dreg:$0x5]  }
0x29: {  	[tilespmem:s8], [sflag:$0x1] =	stream.indirect_vreg.gather [hbm4b:s3+s2], $0x80, v3, vm0, $0xb8;
	[tilespmem:$0x10080] =	vst v63  }
0x2a: {  	s0 =	rddreg [dreg:$0x6]  }
0x2b: {  	[tilespmem:s0], [sflag:$0x1] =	stream.indirect_vreg.gather [hbm4b:s4+s2], $0x80, v3, vm0, $0xb8;
	[tilespmem:$0x10080] =	vst v63  }
0x2c: {  	v3 =	vld [tilespmem:$0x10];
	_ =	sdelay $0x4  }
0x2d: {  	v57 =	vshll.u32 v3, $0x2  }
0x2e: {  	v3 =	vand.u32 $0x7, v3;
	v4 =	vand.u32 $0xFFFFFFE0, v57  }
0x2f: {  	v3 =	vor.u32 v3, v4  }
0x30: {  	v4 =	vperm.xlane v3, v0;
	_ =	sdelay $0x1  }
0x31: {  	v4 =	vadd.s32 v1, v4;
	_ =	sdelay $0x1  }
0x32: {  	v3 =	vperm.xlane v3, v2;
	_ =	sdelay $0x1  }
0x33: {  	s0 =	rddreg [dreg:$0x7];
	v3 =	vadd.s32 v1, v3  }
0x34: {  	[tilespmem:s0], [sflag:$0x1] =	stream.indirect_vreg.gather [hbm4b:s3+s2], $0x80, v4, vm0, $0xb8;
	[tilespmem:$0x10080] =	vst v63  }
0x35: {  	s8 =	rddreg [dreg:$0x8]  }
0x36: {  	[tilespmem:s8], [sflag:$0x1] =	stream.indirect_vreg.gather [hbm4b:s4+s2], $0x80, v4, vm0, $0xb8;
	[tilespmem:$0x10080] =	vst v63  }
0x37: {  	s0 =	rddreg [dreg:$0x9]  }
0x38: {  	[tilespmem:s0], [sflag:$0x1] =	stream.indirect_vreg.gather [hbm4b:s3+s2], $0x80, v3, vm0, $0xb8;
	[tilespmem:$0x10080] =	vst v63  }
0x39: {  	s8 =	rddreg [dreg:$0xa]  }
0x3a: {  	[tilespmem:s8], [sflag:$0x1] =	stream.indirect_vreg.gather [hbm4b:s4+s2], $0x80, v3, vm0, $0xb8;
	[tilespmem:$0x10080] =	vst v63  }
0x3b: {  	v3 =	vld [tilespmem:$0x20];
	_ =	sdelay $0x4  }
0x3c: {  	v58 =	vshll.u32 v3, $0x2  }
0x3d: {  	v3 =	vand.u32 $0x7, v3;
	v4 =	vand.u32 $0xFFFFFFE0, v58  }
0x3e: {  	v3 =	vor.u32 v3, v4  }
0x3f: {  	v4 =	vperm.xlane v3, v0;
	_ =	sdelay $0x1  }
0x40: {  	v4 =	vadd.s32 v1, v4;
	_ =	sdelay $0x1  }
0x41: {  	v3 =	vperm.xlane v3, v2;
	_ =	sdelay $0x1  }
0x42: {  	s8 =	rddreg [dreg:$0xb];
	v3 =	vadd.s32 v1, v3  }
0x43: {  	[tilespmem:s8], [sflag:$0x1] =	stream.indirect_vreg.gather [hbm4b:s3+s2], $0x80, v4, vm0, $0xb8;
	[tilespmem:$0x10080] =	vst v63  }
0x44: {  	s8 =	simm.s32 $0x4880  }
0x45: {  	[tilespmem:s8], [sflag:$0x1] =	stream.indirect_vreg.gather [hbm4b:s4+s2], $0x80, v4, vm0, $0xb8;
	[tilespmem:$0x10080] =	vst v63  }
0x46: {  	_ = 	snop  }
0x47: {  	[tilespmem:s9], [sflag:$0x1] =	stream.indirect_vreg.gather [hbm4b:s3+s2], $0x80, v3, vm0, $0xb8;
	[tilespmem:$0x10080] =	vst v63  }
0x48: {  	_ = 	snop  }
0x49: {  	[tilespmem:s10], [sflag:$0x1] =	stream.indirect_vreg.gather [hbm4b:s4+s2], $0x80, v3, vm0, $0xb8;
	[tilespmem:$0x10080] =	vst v63  }
0x4a: {  	v3 =	vld [tilespmem:$0x30];
	_ =	sdelay $0x4  }
0x4b: {  	v59 =	vshll.u32 v3, $0x2  }
0x4c: {  	v3 =	vand.u32 $0x7, v3;
	v4 =	vand.u32 $0xFFFFFFE0, v59  }
0x4d: {  	v3 =	vor.u32 v3, v4  }
0x4e: {  	v4 =	vperm.xlane v3, v0;
	_ =	sdelay $0x1  }
0x4f: {  	v4 =	vadd.s32 v1, v4;
	_ =	sdelay $0x1  }
0x50: {  	v3 =	vperm.xlane v3, v2;
	_ =	sdelay $0x1  }
0x51: {  	v3 =	vadd.s32 v1, v3  }
0x52: {  	[tilespmem:s11], [sflag:$0x1] =	stream.indirect_vreg.gather [hbm4b:s3+s2], $0x80, v4, vm0, $0xb8;
	[tilespmem:$0x10080] =	vst v63  }
0x53: {  	_ = 	snop  }
0x54: {  	[tilespmem:s12], [sflag:$0x1] =	stream.indirect_vreg.gather [hbm4b:s4+s2], $0x80, v4, vm0, $0xb8;
	[tilespmem:$0x10080] =	vst v63  }
0x55: {  	_ = 	snop  }
0x56: {  	[tilespmem:s13], [sflag:$0x1] =	stream.indirect_vreg.gather [hbm4b:s3+s2], $0x80, v3, vm0, $0xb8;
	[tilespmem:$0x10080] =	vst v63  }
0x57: {  	_ = 	snop  }
0x58: {  	[tilespmem:s14], [sflag:$0x1] =	stream.indirect_vreg.gather [hbm4b:s4+s2], $0x80, v3, vm0, $0xb8;
	[tilespmem:$0x10080] =	vst v63  }
0x59: {  	v3 =	vld [tilespmem:$0x40];
	_ =	sdelay $0x4  }
0x5a: {  	v60 =	vshll.u32 v3, $0x2  }
0x5b: {  	v3 =	vand.u32 $0x7, v3;
	v4 =	vand.u32 $0xFFFFFFE0, v60  }
0x5c: {  	v3 =	vor.u32 v3, v4  }
0x5d: {  	v4 =	vperm.xlane v3, v0;
	_ =	sdelay $0x1  }
0x5e: {  	v4 =	vadd.s32 v1, v4;
	_ =	sdelay $0x1  }
0x5f: {  	v3 =	vperm.xlane v3, v2;
	_ =	sdelay $0x1  }
0x60: {  	v3 =	vadd.s32 v1, v3  }
0x61: {  	[tilespmem:s15], [sflag:$0x1] =	stream.indirect_vreg.gather [hbm4b:s3+s2], $0x80, v4, vm0, $0xb8;
	[tilespmem:$0x10080] =	vst v63  }
0x62: {  	_ = 	snop  }
0x63: {  	[tilespmem:s16], [sflag:$0x1] =	stream.indirect_vreg.gather [hbm4b:s4+s2], $0x80, v4, vm0, $0xb8;
	[tilespmem:$0x10080] =	vst v63  }
0x64: {  	_ = 	snop  }
0x65: {  	[tilespmem:s17], [sflag:$0x1] =	stream.indirect_vreg.gather [hbm4b:s3+s2], $0x80, v3, vm0, $0xb8;
	[tilespmem:$0x10080] =	vst v63  }
0x66: {  	_ = 	snop  }
0x67: {  	[tilespmem:s18], [sflag:$0x1] =	stream.indirect_vreg.gather [hbm4b:s4+s2], $0x80, v3, vm0, $0xb8;
	[tilespmem:$0x10080] =	vst v63  }
0x68: {  	v3 =	vld [tilespmem:$0x50];
	_ =	sdelay $0x4  }
0x69: {  	v61 =	vshll.u32 v3, $0x2  }
0x6a: {  	v3 =	vand.u32 $0x7, v3;
	v4 =	vand.u32 $0xFFFFFFE0, v61  }
0x6b: {  	v3 =	vor.u32 v3, v4  }
0x6c: {  	v4 =	vperm.xlane v3, v0;
	_ =	sdelay $0x1  }
0x6d: {  	v4 =	vadd.s32 v1, v4;
	_ =	sdelay $0x1  }
0x6e: {  	v3 =	vperm.xlane v3, v2;
	_ =	sdelay $0x1  }
0x6f: {  	v3 =	vadd.s32 v1, v3  }
0x70: {  	[tilespmem:s19], [sflag:$0x1] =	stream.indirect_vreg.gather [hbm4b:s3+s2], $0x80, v4, vm0, $0xb8;
	[tilespmem:$0x10080] =	vst v63  }
0x71: {  	_ = 	snop  }
0x72: {  	[tilespmem:s20], [sflag:$0x1] =	stream.indirect_vreg.gather [hbm4b:s4+s2], $0x80, v4, vm0, $0xb8;
	[tilespmem:$0x10080] =	vst v63  }
0x73: {  	_ = 	snop  }
0x74: {  	[tilespmem:s21], [sflag:$0x1] =	stream.indirect_vreg.gather [hbm4b:s3+s2], $0x80, v3, vm0, $0xb8;
	[tilespmem:$0x10080] =	vst v63  }
0x75: {  	_ = 	snop  }
0x76: {  	[tilespmem:s22], [sflag:$0x1] =	stream.indirect_vreg.gather [hbm4b:s4+s2], $0x80, v3, vm0, $0xb8;
	[tilespmem:$0x10080] =	vst v63  }
0x77: {  	v3 =	vld [tilespmem:$0x60];
	_ =	sdelay $0x4  }
0x78: {  	v62 =	vshll.u32 v3, $0x2  }
0x79: {  	v3 =	vand.u32 $0x7, v3;
	v4 =	vand.u32 $0xFFFFFFE0, v62  }
0x7a: {  	v3 =	vor.u32 v3, v4  }
0x7b: {  	v4 =	vperm.xlane v3, v0;
	_ =	sdelay $0x1  }
0x7c: {  	v4 =	vadd.s32 v1, v4;
	_ =	sdelay $0x1  }
0x7d: {  	v3 =	vperm.xlane v3, v2;
	_ =	sdelay $0x1  }
0x7e: {  	v3 =	vadd.s32 v1, v3  }
0x7f: {  	[tilespmem:s23], [sflag:$0x1] =	stream.indirect_vreg.gather [hbm4b:s3+s2], $0x80, v4, vm0, $0xb8;
	[tilespmem:$0x10080] =	vst v63  }
0x80: {  	_ = 	snop  }
0x81: {  	[tilespmem:s24], [sflag:$0x1] =	stream.indirect_vreg.gather [hbm4b:s4+s2], $0x80, v4, vm0, $0xb8;
	[tilespmem:$0x10080] =	vst v63  }
0x82: {  	_ = 	snop  }
0x83: {  	[tilespmem:s25], [sflag:$0x1] =	stream.indirect_vreg.gather [hbm4b:s3+s2], $0x80, v3, vm0, $0xb8;
	[tilespmem:$0x10080] =	vst v63  }
0x84: {  	_ = 	snop  }
0x85: {  	[tilespmem:s26], [sflag:$0x1] =	stream.indirect_vreg.gather [hbm4b:s4+s2], $0x80, v3, vm0, $0xb8;
	[tilespmem:$0x10080] =	vst v63  }
0x86: {  	v3 =	vld [tilespmem:$0x70];
	_ =	sdelay $0x4  }
0x87: {  	v63 =	vshll.u32 v3, $0x2  }
0x88: {  	v3 =	vand.u32 $0x7, v3;
	v4 =	vand.u32 $0xFFFFFFE0, v63  }
0x89: {  	v3 =	vor.u32 v3, v4  }
0x8a: {  	v4 =	vperm.xlane v3, v0;
	_ =	sdelay $0x1  }
0x8b: {  	v4 =	vadd.s32 v1, v4;
	_ =	sdelay $0x1  }
0x8c: {  	v3 =	vperm.xlane v3, v2;
	_ =	sdelay $0x1  }
0x8d: {  	v3 =	vadd.s32 v1, v3  }
0x8e: {  	[tilespmem:s28], [sflag:$0x1] =	stream.indirect_vreg.gather [hbm4b:s3+s2], $0x80, v4, vm0, $0xb8;
	[tilespmem:$0x10080] =	vst v63  }
0x8f: {  	_ = 	snop  }
0x90: {  	[tilespmem:s29], [sflag:$0x1] =	stream.indirect_vreg.gather [hbm4b:s4+s2], $0x80, v4, vm0, $0xb8;
	[tilespmem:$0x10080] =	vst v63  }
0x91: {  	_ = 	snop  }
0x92: {  	[tilespmem:s30], [sflag:$0x1] =	stream.indirect_vreg.gather [hbm4b:s3+s2], $0x80, v3, vm0, $0xb8;
	[tilespmem:$0x10080] =	vst v63  }
0x93: {  	_ = 	snop  }
0x94: {  	[tilespmem:s31], [sflag:$0x1] =	stream.indirect_vreg.gather [hbm4b:s4+s2], $0x80, v3, vm0, $0xb8;
	[tilespmem:$0x10080] =	vst v63  }
0x95: {  	_ =	swait.ge [sflag:s1], $0x10000  }
0x96: {  	p0 =	sne.s32 s5, $0x1;
	[sflag:s1] =	ssyncset.done $0x0  }
.Ltmp0:
0x97: {  	s8 =	rddreg [dreg:$0x3];
	[sflag:s1] =	ssyncadd.s32 $0xFFFF0000;
	(pc) =	sbr.rel @p0 .LBB2_1-.Ltmp0, $4  }
0x98: {  	[hbm4b:s8+s2] =	stream.linear.scatter [tilespmem:s7], [sflag:$0x2], $0x10000, $0x38;
	[tilespmem:$0x10080] =	vst v63  }
0x99: {  	_ =	swait.ge [sflag:s6], $0x10000  }
0x9a: {  	[sflag:s6] =	ssyncset.done $0x0  }
0x9b: {  	s5 =	sadd.s32 $0xFFFFFFFF, s5;
	[sflag:s6] =	ssyncadd.s32 $0xFFFF0000  }
0x9c: {  	_ =	sfence.sel $0x180000  }
0x9d: {  	[bflag:$0x0] =	sbarrier.arrive $0xFFFF  }
0x9e: {  	_ =	strace $0x90000047  }
0x9f: {  	s0 =	stileid.u32;
	[bflag:$0x2] =	sbarrier.arrive $0xFFFF  }
0xa0: {  	p0 =	sne.s32 s0, $0x0;
	s0 =	rddreg [dreg:$0x1]  }
0xa1: {  	s0 =	sadd.s32 @!p0 $0x100000, s0  }
0xa2: {  	[sflag:s0] =	ssyncadd.tile.s32 @!p0 $0x1;
	_ =	shalt  }
.Lfunc_end2:
_tile_overlayer_lowered:
.L_overlay_start_2:
0xa3: {  	(tag) =	ssettag $0x2  }
0xa4: {  	s0 =	rddreg [dreg:$0x0];
	s2 =	stileid.u32  }
0xa5: {  	s1 =	rddreg [dreg:$0x1];
	p0 =	sne.s32 s2, $0x0  }
0xa6: {  	s3 =	rddreg [dreg:$0x2];
	[bflag:$0x3] =	sbarrier.arrive $0xFFFF;
	s2 =	simm.s32 @!p0 $0x1C02  }
0xa7: {  	[timem:s3], [sflag:s2] =	dma.local @!p0 [hbm:s0], s1  }
0xa8: {  	s0 =	simm.s32 @!p0 $0x2  }
0xa9: {  	_ =	swait.ge @!p0 [sflag:s0], s1  }
0xaa: {  	s1 =	ssub.s32 @!p0 $0x0, s1;
	[sflag:s0] =	ssyncset.done @!p0 $0x0  }
0xab: {  	[sflag:s0] =	ssyncadd.s32 @!p0 s1  }
0xac: {  	[bflag:$0x3] =	sbarrier.arrive $0xFFFF  }
0xad: {  	_ =	shalt  }

</sc_bundles>
